<compile_context>
chip_gen: v7x
topology: tpu7x:2x2x1
jax: 0.10.2.dev20260603
libtpu: 0.0.44.dev20260713+nightly
codegen_flags: <defaults>
</compile_context>

<pallas_src>
import functools

import jax
import jax.numpy as jnp
from jax import lax
from jax.experimental import pallas as pl
from jax.experimental.pallas import tpu as pltpu
from jax.experimental.pallas import tpu_sc as plsc

BOX = 6.0
HALF = BOX / 2.0

_NC, _NS = 2, 16
_NW = _NC * _NS


def _sc_edge_features(vtab3, idx_s, idx_r, chunk=2048):
    _, n = vtab3.shape
    m = idx_s.shape[0]
    per_w = m // _NW
    assert per_w * _NW == m and per_w % chunk == 0 and chunk % 128 == 0
    nch = per_w // chunk
    ngr = chunk // 16
    mesh = plsc.VectorSubcoreMesh(
        core_axis_name="c", subcore_axis_name="s",
        num_cores=_NC, num_subcores=_NS)

    @functools.partial(
        pl.kernel,
        out_type=jax.ShapeDtypeStruct((8, m), jnp.float32),
        mesh=mesh,
        compiler_params=pltpu.CompilerParams(
            use_tc_tiling_on_sc=False, needs_layout_passes=False),
        scratch_types=[
            pltpu.VMEM((n,), jnp.float32),
            pltpu.VMEM((n,), jnp.float32),
            pltpu.VMEM((n,), jnp.float32),
            pltpu.VMEM((chunk,), jnp.int32),
            pltpu.VMEM((chunk,), jnp.int32),
            pltpu.VMEM((8, chunk), jnp.float32),
        ],
    )
    def build_kernel(tab_hbm, ids_hbm, idr_hbm, out_hbm,
                     t0, t3, t4, ids_v, idr_v, stage):
        wid = lax.axis_index("s") * _NC + lax.axis_index("c")
        base = wid * per_w
        pltpu.sync_copy(tab_hbm.at[0], t0)
        pltpu.sync_copy(tab_hbm.at[1], t3)
        pltpu.sync_copy(tab_hbm.at[2], t4)

        def chunk_body(i, carry):
            off = base + i * chunk
            pltpu.sync_copy(ids_hbm.at[pl.ds(off, chunk)], ids_v)
            pltpu.sync_copy(idr_hbm.at[pl.ds(off, chunk)], idr_v)

            def group_body(g, c2):
                o = g * 16
                si = ids_v[pl.ds(o, 16)]
                ri = idr_v[pl.ds(o, 16)]
                s0 = plsc.load_gather(t0, [si])
                s3 = plsc.load_gather(t3, [si])
                s4 = plsc.load_gather(t4, [si])
                r0 = plsc.load_gather(t0, [ri])
                r3 = plsc.load_gather(t3, [ri])
                r4 = plsc.load_gather(t4, [ri])
                d3 = s3 - r3
                d3 = jnp.where(d3 > HALF, d3 - BOX, d3)
                d3 = jnp.where(d3 <= -HALF, d3 + BOX, d3)
                d4 = s4 - r4
                d4 = jnp.where(d4 > HALF, d4 - BOX, d4)
                d4 = jnp.where(d4 <= -HALF, d4 + BOX, d4)
                stage[0, pl.ds(o, 16)] = s0
                stage[1, pl.ds(o, 16)] = s3
                stage[2, pl.ds(o, 16)] = s4
                stage[3, pl.ds(o, 16)] = r0
                stage[4, pl.ds(o, 16)] = r3
                stage[5, pl.ds(o, 16)] = r4
                stage[6, pl.ds(o, 16)] = d3
                stage[7, pl.ds(o, 16)] = d4
                return c2

            lax.fori_loop(0, ngr, group_body, 0)
            pltpu.sync_copy(stage, out_hbm.at[:, pl.ds(off, chunk)])
            return carry

        lax.fori_loop(0, nch, chunk_body, 0)

    return build_kernel(vtab3, idx_s, idx_r)


def _dot(a, b):
    ah = a.astype(jnp.bfloat16)
    al = (a - ah.astype(jnp.float32)).astype(jnp.bfloat16)
    bh = b.astype(jnp.bfloat16)
    bl = (b - bh.astype(jnp.float32)).astype(jnp.bfloat16)

    def d(x, y):
        return jnp.dot(x, y, preferred_element_type=jnp.float32)

    return (d(al, bh) + d(ah, bl)) + d(ah, bh)


def _tc_body(deg, x_ref, v2_ref, w1_ref, b1_ref, w2_ref, b2_ref,
             wn1a_ref, wn1v_ref, bn1_ref, wn2_ref, bn2_ref,
             wn3_ref, bn3_ref, wo_ref, bo_ref, out_ref):
    tn = out_ref.shape[1]
    x = x_ref[...]
    h = jnp.maximum(_dot(w1_ref[...], x) + b1_ref[...], 0.0)
    en = jnp.maximum(
        _dot(w2_ref[...], h) + b2_ref[...], 0.0)
    agg = en
    width = deg
    while width > 1:
        width //= 2
        agg = agg[:, 0:width * tn] + agg[:, width * tn:2 * width * tn]
    v2 = v2_ref[...]
    z = jnp.maximum(
        _dot(wn1a_ref[...], agg)
        + _dot(wn1v_ref[...], v2) + bn1_ref[...], 0.0)
    z = jnp.maximum(_dot(wn2_ref[...], z) + bn2_ref[...], 0.0)
    z = jnp.maximum(_dot(wn3_ref[...], z) + bn3_ref[...], 0.0)
    newc = v2[0:4, :] + _dot(wo_ref[...], z) + bo_ref[...]
    cw = jnp.where(newc >= HALF, newc - BOX, newc)
    cw = jnp.where(cw < -HALF, cw + BOX, cw)
    row = lax.broadcasted_iota(jnp.int32, newc.shape, 0)
    out_ref[...] = jnp.where(row < 2, cw, newc)


def _tc_forward(x, v2t, w1, b1, w2, b2, wn1a, wn1v, bn1,
                wn2, bn2, wn3, bn3, wo, bo, tn, deg):
    n = v2t.shape[1]
    te = tn * deg
    nb = n // tn
    assert nb * tn == n and x.shape == (8, n * deg)

    def wspec(arr):
        return pl.BlockSpec(arr.shape, lambda i: tuple(0 for _ in arr.shape))

    grid_spec = pl.GridSpec(
        grid=(nb,),
        in_specs=[
            pl.BlockSpec((8, te), lambda i: (0, i)),
            pl.BlockSpec((8, tn), lambda i: (0, i)),
            wspec(w1), wspec(b1), wspec(w2), wspec(b2),
            wspec(wn1a), wspec(wn1v), wspec(bn1),
            wspec(wn2), wspec(bn2), wspec(wn3), wspec(bn3),
            wspec(wo), wspec(bo),
        ],
        out_specs=pl.BlockSpec((4, tn), lambda i: (0, i)),
    )
    return pl.pallas_call(
        functools.partial(_tc_body, deg),
        grid_spec=grid_spec,
        out_shape=jax.ShapeDtypeStruct((4, n), jnp.float32),
    )(x, v2t, w1, b1, w2, b2, wn1a, wn1v, bn1,
      wn2, bn2, wn3, bn3, wo, bo)


def kernel(V, R_s, R_r, dt, We1, be1, We2, be2, Wn1, bn1, Wn2, bn2,
           Wn3, bn3, Wo, bo):
    _, n, _ = V.shape
    e = R_s.shape[1]
    deg = e // n
    hd = We1.shape[1]
    nd = Wn1.shape[1]
    vf = V[0]
    dt0 = dt[0, 0]

    tn = 128
    nsplit = 1
    chunk = 2048
    nb = -(-n // tn)
    while (nb * tn * deg) % (nsplit * _NW * chunk) != 0:
        nb += 1
    np_ = nb * tn
    ep_ = np_ * deg
    pad_n = np_ - n

    vno = jnp.concatenate([vf[:, 0:1], vf[:, 3:5]], axis=1)
    vtab3 = vno.T
    v2t = jnp.concatenate(
        [vf[:, 3:7], vno, jnp.zeros((n, 1), jnp.float32)],
        axis=1).T
    v2t = jnp.pad(v2t, ((0, 0), (0, pad_n)))

    def _jmajor(r):
        r = jnp.pad(r.reshape(n, deg), ((0, pad_n), (0, 0)))
        return r.reshape(nb, tn, deg).transpose(0, 2, 1).reshape(-1)

    ids = _jmajor(R_s[0])
    idr = _jmajor(R_r[0])
    eh = ep_ // nsplit
    nh = np_ // nsplit
    xs = [_sc_edge_features(vtab3, ids[k * eh:(k + 1) * eh],
                            idr[k * eh:(k + 1) * eh], chunk=chunk)
          for k in range(nsplit)]

    w1 = We1[0:8].T
    b1 = (be1 + dt0 * We1[8])[:, None]
    w2 = We2.T
    b2 = be2[:, None]
    wn1a = Wn1[3:3 + hd].T
    wn1v = jnp.concatenate(
        [jnp.zeros((nd, 4), jnp.float32), Wn1[0:3].T,
         jnp.zeros((nd, 1), jnp.float32)], axis=1)
    bn1d = (bn1 + dt0 * Wn1[3 + hd])[:, None]

    outs = [_tc_forward(xs[k], v2t[:, k * nh:(k + 1) * nh],
                        w1, b1, w2, b2, wn1a, wn1v, bn1d,
                        Wn2.T, bn2[:, None], Wn3.T, bn3[:, None],
                        Wo.T, bo[:, None], tn=tn, deg=deg)
            for k in range(nsplit)]
    outt = jnp.concatenate(outs, axis=1)
    return outt.T[None, :n]

# --- scband reference (transcript-rebuilt; emitter-appended) ---
"""Pipeline reference for scband-delta-gn-60498909331860 (READ-ONLY COPY).

The authoritative reference and input builder live on the scoring server;
editing this copy changes nothing except your own understanding.
"""

import jax, jax.numpy as jnp
import numpy as np

B, N, E = 1, 10000, 320000
BOX = 6.0


def _lin(k, fan_in, fan_out):
    bound = 1.0 / np.sqrt(fan_in)
    kw, kb = jax.random.split(k)
    W = jax.random.uniform(kw, (fan_in, fan_out), minval=-bound, maxval=bound, dtype=jnp.float32)
    b = jax.random.uniform(kb, (fan_out,), minval=-bound, maxval=bound, dtype=jnp.float32)
    return W, b


def setup_inputs(seed: int = 0):
    key = jax.random.key(seed)
    ks = jax.random.split(key, 16)
    inp = {}
    inp["V"] = jax.random.normal(ks[0], (B, N, 7), dtype=jnp.float32)
    inp["R_s"] = jax.random.randint(ks[1], (B, E), 0, N, dtype=jnp.int32)
    inp["R_r"] = jax.random.randint(ks[2], (B, E), 0, N, dtype=jnp.int32)
    inp["dt"] = jax.random.uniform(ks[3], (B, 1), dtype=jnp.float32)
    inp["We1"], inp["be1"] = _lin(ks[4], 9, 150)
    inp["We2"], inp["be2"] = _lin(ks[5], 150, 150)
    inp["Wn1"], inp["bn1"] = _lin(ks[6], 154, 100)
    inp["Wn2"], inp["bn2"] = _lin(ks[7], 100, 100)
    inp["Wn3"], inp["bn3"] = _lin(ks[8], 100, 100)
    inp["Wo"], inp["bo"] = _lin(ks[9], 100, 4)
    return inp


def _forward(V, dt, We1, be1, We2, be2, Wn1, bn1, Wn2, bn2, Wn3, bn3, Wo, bo, R_s, R_r):
    non_pos = jnp.array([0, 3, 4])
    V_no_pos = V[:, :, non_pos]
    V_pos = V[:, :, -4:-2]
    idx_s = R_s[:, :, None]
    idx_r = R_r[:, :, None]
    Vs = jnp.take_along_axis(V_no_pos, idx_s, axis=1)
    Vr = jnp.take_along_axis(V_no_pos, idx_r, axis=1)
    Ps = jnp.take_along_axis(V_pos, idx_s, axis=1)
    Pr = jnp.take_along_axis(V_pos, idx_r, axis=1)
    Ecat = jnp.concatenate([Vs, Vr, Ps - Pr], axis=-1)
    d = Ecat[:, :, -2:]
    d = jnp.where(d > BOX / 2, d - BOX, d)
    d = jnp.where(d <= -BOX / 2, d + BOX, d)
    Ecat = jnp.concatenate([Ecat[:, :, :-2], d], axis=-1)
    u_e = jnp.broadcast_to(dt[:, :, None], (Ecat.shape[0], Ecat.shape[1], 1))
    Ecat = jnp.concatenate([Ecat, u_e], axis=-1)
    h = jnp.maximum(Ecat @ We1 + be1, 0)
    E_n = jnp.maximum(h @ We2 + be2, 0)
    agg = jnp.sum(E_n.reshape(B, N, E // N, E_n.shape[-1]), axis=2)
    out = jnp.concatenate([V_no_pos, agg], axis=-1)
    u_n = jnp.broadcast_to(dt[:, :, None], (out.shape[0], out.shape[1], 1))
    out = jnp.concatenate([out, u_n], axis=-1)
    h1 = jnp.maximum(out @ Wn1 + bn1, 0)
    h2 = jnp.maximum(h1 @ Wn2 + bn2, 0)
    V_n = jnp.maximum(h2 @ Wn3 + bn3, 0)
    new_c = V[:, :, -4:] + (V_n @ Wo + bo)
    c = new_c[:, :, :2]
    c = jnp.where(c >= BOX / 2, c - BOX, c)
    c = jnp.where(c < -BOX / 2, c + BOX, c)
    return jnp.concatenate([c, new_c[:, :, 2:]], axis=-1)


def reference(V, R_s, R_r, dt, We1, be1, We2, be2, Wn1, bn1, Wn2, bn2, Wn3, bn3, Wo, bo):
    return _forward(V, dt, We1, be1, We2, be2, Wn1, bn1, Wn2, bn2, Wn3, bn3, Wo, bo, R_s, R_r)

if __name__ == "__main__":
    import jax
    _d = setup_inputs()
    print(jax.jit(kernel)(*tuple(_d.values())))

</pallas_src>

<mosaic_0001>
#map = affine_map<(d0, d1) -> (0, 0)>
#map1 = affine_map<(d0, d1) -> (0)>
module attributes {stable_mosaic.version = 14 : i64} {
  func.func @build_kernel(%arg0: i32, %arg1: i32, %arg2: memref<3x10000xf32, #tpu.memory_space<hbm>>, %arg3: memref<327680xi32, #tpu.memory_space<hbm>>, %arg4: memref<327680xi32, #tpu.memory_space<hbm>>, %arg5: memref<8x327680xf32, #tpu.memory_space<hbm>>, %arg6: memref<10000xf32, #tpu.memory_space<vmem>>, %arg7: memref<10000xf32, #tpu.memory_space<vmem>>, %arg8: memref<10000xf32, #tpu.memory_space<vmem>>, %arg9: memref<2048xi32, #tpu.memory_space<vmem>>, %arg10: memref<2048xi32, #tpu.memory_space<vmem>>, %arg11: memref<8x2048xf32, #tpu.memory_space<vmem>>) attributes {dimension_semantics = [#tpu.dimension_semantics<core_parallel>, #tpu.dimension_semantics<subcore_parallel>], iteration_bounds = array<i64: 2, 16>, scalar_prefetch = 0 : i64, scratch_operands = 6 : i64, tpu.core_type = #tpu.core_type<sc_vector_subcore>, window_params = [{transform_indices = #map}, {transform_indices = #map1}, {transform_indices = #map1}, {transform_indices = #map}]} {
    %mul3A = arith.constant 2 : i32
    %mul3A_0 = arith.muli %arg1, %mul3A : i32
    %add3A = arith.addi %mul3A_0, %arg0 : i32
    %mul3A_1 = arith.constant 10240 : i32
    %mul3A_2 = arith.muli %add3A, %mul3A_1 : i32
    %run_scoped3A = arith.constant 0 : i32
    "tpu.region"() ({
      %run_scoped3A_10 = tpu.sem_alloc : memref<!tpu.dma_semaphore, #tpu.memory_space<semaphore_mem>>
      %dma_start3A = arith.constant 0 : i32
      %dma_start3A_11 = tpu.memref_slice %arg2[%run_scoped3A, %dma_start3A] : memref<3x10000xf32, #tpu.memory_space<hbm>> -> memref<1x10000xf32, #tpu.memory_space<hbm>>
      %dma_start3A_12 = tpu.memref_squeeze %dma_start3A_11 : memref<1x10000xf32, #tpu.memory_space<hbm>> -> memref<10000xf32, #tpu.memory_space<hbm>>
      %dma_start3A_13 = arith.constant 0 : i32
      %dma_start3A_14 = tpu.memref_slice %arg2[%run_scoped3A, %dma_start3A_13] : memref<3x10000xf32, #tpu.memory_space<hbm>> -> memref<1x10000xf32, #tpu.memory_space<hbm>>
      %dma_start3A_15 = tpu.memref_squeeze %dma_start3A_14 : memref<1x10000xf32, #tpu.memory_space<hbm>> -> memref<10000xf32, #tpu.memory_space<hbm>>
      tpu.enqueue_dma source(%dma_start3A_15 : memref<10000xf32, #tpu.memory_space<hbm>>) target(%arg6 : memref<10000xf32, #tpu.memory_space<vmem>>) target_semaphore(%run_scoped3A_10 : memref<!tpu.dma_semaphore, #tpu.memory_space<semaphore_mem>>)
      %dma_wait3A = arith.constant 0 : i32
      %dma_wait3A_16 = tpu.memref_slice %arg2[%run_scoped3A, %dma_wait3A] : memref<3x10000xf32, #tpu.memory_space<hbm>> -> memref<1x10000xf32, #tpu.memory_space<hbm>>
      %dma_wait3A_17 = tpu.memref_squeeze %dma_wait3A_16 : memref<1x10000xf32, #tpu.memory_space<hbm>> -> memref<10000xf32, #tpu.memory_space<hbm>>
      %dma_wait3A_18 = arith.constant 0 : i32
      %dma_wait3A_19 = tpu.memref_slice %arg2[%run_scoped3A, %dma_wait3A_18] : memref<3x10000xf32, #tpu.memory_space<hbm>> -> memref<1x10000xf32, #tpu.memory_space<hbm>>
      %dma_wait3A_20 = tpu.memref_squeeze %dma_wait3A_19 : memref<1x10000xf32, #tpu.memory_space<hbm>> -> memref<10000xf32, #tpu.memory_space<hbm>>
      tpu.wait_dma2 semaphore(%run_scoped3A_10 : memref<!tpu.dma_semaphore, #tpu.memory_space<semaphore_mem>>) src(%dma_wait3A_20 : memref<10000xf32, #tpu.memory_space<hbm>>) dst(%arg6 : memref<10000xf32, #tpu.memory_space<vmem>>)
      tpu.yield
    }) : () -> ()
    %run_scoped3A_3 = arith.constant 1 : i32
    "tpu.region"() ({
      %run_scoped3A_10 = tpu.sem_alloc : memref<!tpu.dma_semaphore, #tpu.memory_space<semaphore_mem>>
      %dma_start3A = arith.constant 0 : i32
      %dma_start3A_11 = tpu.memref_slice %arg2[%run_scoped3A_3, %dma_start3A] : memref<3x10000xf32, #tpu.memory_space<hbm>> -> memref<1x10000xf32, #tpu.memory_space<hbm>>
      %dma_start3A_12 = tpu.memref_squeeze %dma_start3A_11 : memref<1x10000xf32, #tpu.memory_space<hbm>> -> memref<10000xf32, #tpu.memory_space<hbm>>
      %dma_start3A_13 = arith.constant 0 : i32
      %dma_start3A_14 = tpu.memref_slice %arg2[%run_scoped3A_3, %dma_start3A_13] : memref<3x10000xf32, #tpu.memory_space<hbm>> -> memref<1x10000xf32, #tpu.memory_space<hbm>>
      %dma_start3A_15 = tpu.memref_squeeze %dma_start3A_14 : memref<1x10000xf32, #tpu.memory_space<hbm>> -> memref<10000xf32, #tpu.memory_space<hbm>>
      tpu.enqueue_dma source(%dma_start3A_15 : memref<10000xf32, #tpu.memory_space<hbm>>) target(%arg7 : memref<10000xf32, #tpu.memory_space<vmem>>) target_semaphore(%run_scoped3A_10 : memref<!tpu.dma_semaphore, #tpu.memory_space<semaphore_mem>>)
      %dma_wait3A = arith.constant 0 : i32
      %dma_wait3A_16 = tpu.memref_slice %arg2[%run_scoped3A_3, %dma_wait3A] : memref<3x10000xf32, #tpu.memory_space<hbm>> -> memref<1x10000xf32, #tpu.memory_space<hbm>>
      %dma_wait3A_17 = tpu.memref_squeeze %dma_wait3A_16 : memref<1x10000xf32, #tpu.memory_space<hbm>> -> memref<10000xf32, #tpu.memory_space<hbm>>
      %dma_wait3A_18 = arith.constant 0 : i32
      %dma_wait3A_19 = tpu.memref_slice %arg2[%run_scoped3A_3, %dma_wait3A_18] : memref<3x10000xf32, #tpu.memory_space<hbm>> -> memref<1x10000xf32, #tpu.memory_space<hbm>>
      %dma_wait3A_20 = tpu.memref_squeeze %dma_wait3A_19 : memref<1x10000xf32, #tpu.memory_space<hbm>> -> memref<10000xf32, #tpu.memory_space<hbm>>
      tpu.wait_dma2 semaphore(%run_scoped3A_10 : memref<!tpu.dma_semaphore, #tpu.memory_space<semaphore_mem>>) src(%dma_wait3A_20 : memref<10000xf32, #tpu.memory_space<hbm>>) dst(%arg7 : memref<10000xf32, #tpu.memory_space<vmem>>)
      tpu.yield
    }) : () -> ()
    %run_scoped3A_4 = arith.constant 2 : i32
    "tpu.region"() ({
      %run_scoped3A_10 = tpu.sem_alloc : memref<!tpu.dma_semaphore, #tpu.memory_space<semaphore_mem>>
      %dma_start3A = arith.constant 0 : i32
      %dma_start3A_11 = tpu.memref_slice %arg2[%run_scoped3A_4, %dma_start3A] : memref<3x10000xf32, #tpu.memory_space<hbm>> -> memref<1x10000xf32, #tpu.memory_space<hbm>>
      %dma_start3A_12 = tpu.memref_squeeze %dma_start3A_11 : memref<1x10000xf32, #tpu.memory_space<hbm>> -> memref<10000xf32, #tpu.memory_space<hbm>>
      %dma_start3A_13 = arith.constant 0 : i32
      %dma_start3A_14 = tpu.memref_slice %arg2[%run_scoped3A_4, %dma_start3A_13] : memref<3x10000xf32, #tpu.memory_space<hbm>> -> memref<1x10000xf32, #tpu.memory_space<hbm>>
      %dma_start3A_15 = tpu.memref_squeeze %dma_start3A_14 : memref<1x10000xf32, #tpu.memory_space<hbm>> -> memref<10000xf32, #tpu.memory_space<hbm>>
      tpu.enqueue_dma source(%dma_start3A_15 : memref<10000xf32, #tpu.memory_space<hbm>>) target(%arg8 : memref<10000xf32, #tpu.memory_space<vmem>>) target_semaphore(%run_scoped3A_10 : memref<!tpu.dma_semaphore, #tpu.memory_space<semaphore_mem>>)
      %dma_wait3A = arith.constant 0 : i32
      %dma_wait3A_16 = tpu.memref_slice %arg2[%run_scoped3A_4, %dma_wait3A] : memref<3x10000xf32, #tpu.memory_space<hbm>> -> memref<1x10000xf32, #tpu.memory_space<hbm>>
      %dma_wait3A_17 = tpu.memref_squeeze %dma_wait3A_16 : memref<1x10000xf32, #tpu.memory_space<hbm>> -> memref<10000xf32, #tpu.memory_space<hbm>>
      %dma_wait3A_18 = arith.constant 0 : i32
      %dma_wait3A_19 = tpu.memref_slice %arg2[%run_scoped3A_4, %dma_wait3A_18] : memref<3x10000xf32, #tpu.memory_space<hbm>> -> memref<1x10000xf32, #tpu.memory_space<hbm>>
      %dma_wait3A_20 = tpu.memref_squeeze %dma_wait3A_19 : memref<1x10000xf32, #tpu.memory_space<hbm>> -> memref<10000xf32, #tpu.memory_space<hbm>>
      tpu.wait_dma2 semaphore(%run_scoped3A_10 : memref<!tpu.dma_semaphore, #tpu.memory_space<semaphore_mem>>) src(%dma_wait3A_20 : memref<10000xf32, #tpu.memory_space<hbm>>) dst(%arg8 : memref<10000xf32, #tpu.memory_space<vmem>>)
      tpu.yield
    }) : () -> ()
    %scan3A = arith.constant 0 : i32
    %scan3A_5 = arith.constant 0 : i32
    %scan3A_6 = arith.constant 5 : i32
    %scan3A_7 = arith.addi %scan3A_5, %scan3A_6 : i32
    %scan3A_8 = arith.constant 1 : i32
    scf.for %scan3A_10 = %scan3A_5 to %scan3A_7 step %scan3A_8  : i32 {
      %mul3A_11 = arith.constant 2048 : i32
      %mul3A_12 = arith.muli %scan3A_10, %mul3A_11 : i32
      %add3A_13 = arith.addi %mul3A_2, %mul3A_12 : i32
      "tpu.region"() ({
        %run_scoped3A_20 = tpu.sem_alloc : memref<!tpu.dma_semaphore, #tpu.memory_space<semaphore_mem>>
        %dma_start3A = tpu.memref_slice %arg3[%add3A_13] : memref<327680xi32, #tpu.memory_space<hbm>> -> memref<2048xi32, #tpu.memory_space<hbm>>
        %dma_start3A_21 = tpu.memref_slice %arg3[%add3A_13] : memref<327680xi32, #tpu.memory_space<hbm>> -> memref<2048xi32, #tpu.memory_space<hbm>>
        tpu.enqueue_dma source(%dma_start3A_21 : memref<2048xi32, #tpu.memory_space<hbm>>) target(%arg9 : memref<2048xi32, #tpu.memory_space<vmem>>) target_semaphore(%run_scoped3A_20 : memref<!tpu.dma_semaphore, #tpu.memory_space<semaphore_mem>>)
        %dma_wait3A = tpu.memref_slice %arg3[%add3A_13] : memref<327680xi32, #tpu.memory_space<hbm>> -> memref<2048xi32, #tpu.memory_space<hbm>>
        %dma_wait3A_22 = tpu.memref_slice %arg3[%add3A_13] : memref<327680xi32, #tpu.memory_space<hbm>> -> memref<2048xi32, #tpu.memory_space<hbm>>
        tpu.wait_dma2 semaphore(%run_scoped3A_20 : memref<!tpu.dma_semaphore, #tpu.memory_space<semaphore_mem>>) src(%dma_wait3A_22 : memref<2048xi32, #tpu.memory_space<hbm>>) dst(%arg9 : memref<2048xi32, #tpu.memory_space<vmem>>)
        tpu.yield
      }) : () -> ()
      "tpu.region"() ({
        %run_scoped3A_20 = tpu.sem_alloc : memref<!tpu.dma_semaphore, #tpu.memory_space<semaphore_mem>>
        %dma_start3A = tpu.memref_slice %arg4[%add3A_13] : memref<327680xi32, #tpu.memory_space<hbm>> -> memref<2048xi32, #tpu.memory_space<hbm>>
        %dma_start3A_21 = tpu.memref_slice %arg4[%add3A_13] : memref<327680xi32, #tpu.memory_space<hbm>> -> memref<2048xi32, #tpu.memory_space<hbm>>
        tpu.enqueue_dma source(%dma_start3A_21 : memref<2048xi32, #tpu.memory_space<hbm>>) target(%arg10 : memref<2048xi32, #tpu.memory_space<vmem>>) target_semaphore(%run_scoped3A_20 : memref<!tpu.dma_semaphore, #tpu.memory_space<semaphore_mem>>)
        %dma_wait3A = tpu.memref_slice %arg4[%add3A_13] : memref<327680xi32, #tpu.memory_space<hbm>> -> memref<2048xi32, #tpu.memory_space<hbm>>
        %dma_wait3A_22 = tpu.memref_slice %arg4[%add3A_13] : memref<327680xi32, #tpu.memory_space<hbm>> -> memref<2048xi32, #tpu.memory_space<hbm>>
        tpu.wait_dma2 semaphore(%run_scoped3A_20 : memref<!tpu.dma_semaphore, #tpu.memory_space<semaphore_mem>>) src(%dma_wait3A_22 : memref<2048xi32, #tpu.memory_space<hbm>>) dst(%arg10 : memref<2048xi32, #tpu.memory_space<vmem>>)
        tpu.yield
      }) : () -> ()
      %scan3A_14 = arith.constant 0 : i32
      %scan3A_15 = arith.constant 0 : i32
      %scan3A_16 = arith.constant 128 : i32
      %scan3A_17 = arith.addi %scan3A_15, %scan3A_16 : i32
      %scan3A_18 = arith.constant 1 : i32
      scf.for %scan3A_20 = %scan3A_15 to %scan3A_17 step %scan3A_18  : i32 {
        %mul3A_21 = arith.constant 16 : i32
        %mul3A_22 = arith.muli %scan3A_20, %mul3A_21 : i32
        %get3A = arith.index_cast %mul3A_22 : i32 to index
        %get3A_23 = tpu.vector_load %arg9[%get3A] {strides = array<i32>} : memref<2048xi32, #tpu.memory_space<vmem>>, vector<16xi32>,
        %get3A_24 = arith.index_cast %mul3A_22 : i32 to index
        %get3A_25 = tpu.vector_load %arg10[%get3A_24] {strides = array<i32>} : memref<2048xi32, #tpu.memory_space<vmem>>, vector<16xi32>,
        %gather3A = tpu.vector_load_idx %arg6[%get3A_23] : memref<10000xf32, #tpu.memory_space<vmem>>[vector<16xi32>], vector<16xf32>,
        %gather3A_26 = tpu.vector_load_idx %arg7[%get3A_23] : memref<10000xf32, #tpu.memory_space<vmem>>[vector<16xi32>], vector<16xf32>,
        %gather3A_27 = tpu.vector_load_idx %arg8[%get3A_23] : memref<10000xf32, #tpu.memory_space<vmem>>[vector<16xi32>], vector<16xf32>,
        %gather3A_28 = tpu.vector_load_idx %arg6[%get3A_25] : memref<10000xf32, #tpu.memory_space<vmem>>[vector<16xi32>], vector<16xf32>,
        %gather3A_29 = tpu.vector_load_idx %arg7[%get3A_25] : memref<10000xf32, #tpu.memory_space<vmem>>[vector<16xi32>], vector<16xf32>,
        %gather3A_30 = tpu.vector_load_idx %arg8[%get3A_25] : memref<10000xf32, #tpu.memory_space<vmem>>[vector<16xi32>], vector<16xf32>,
        %sub3A = arith.subf %gather3A_26, %gather3A_29 : vector<16xf32>
        %gt3A = arith.constant 3.000000e+00 : f32
        %gt3A_31 = vector.broadcast %gt3A : f32 to vector<16xf32>
        %gt3A_32 = arith.cmpf ogt, %sub3A, %gt3A_31 : vector<16xf32>
        %sub3A_33 = arith.constant 6.000000e+00 : f32
        %sub3A_34 = vector.broadcast %sub3A_33 : f32 to vector<16xf32>
        %sub3A_35 = arith.subf %sub3A, %sub3A_34 : vector<16xf32>
        %select_n3A = arith.select %gt3A_32, %sub3A_35, %sub3A : vector<16xi1>, vector<16xf32>
        %le3A = arith.constant -3.000000e+00 : f32
        %le3A_36 = vector.broadcast %le3A : f32 to vector<16xf32>
        %le3A_37 = arith.cmpf ole, %select_n3A, %le3A_36 : vector<16xf32>
        %add3A_38 = arith.constant 6.000000e+00 : f32
        %add3A_39 = vector.broadcast %add3A_38 : f32 to vector<16xf32>
        %add3A_40 = arith.addf %select_n3A, %add3A_39 : vector<16xf32>
        %select_n3A_41 = arith.select %le3A_37, %add3A_40, %select_n3A : vector<16xi1>, vector<16xf32>
        %sub3A_42 = arith.subf %gather3A_27, %gather3A_30 : vector<16xf32>
        %gt3A_43 = arith.constant 3.000000e+00 : f32
        %gt3A_44 = vector.broadcast %gt3A_43 : f32 to vector<16xf32>
        %gt3A_45 = arith.cmpf ogt, %sub3A_42, %gt3A_44 : vector<16xf32>
        %sub3A_46 = arith.constant 6.000000e+00 : f32
        %sub3A_47 = vector.broadcast %sub3A_46 : f32 to vector<16xf32>
        %sub3A_48 = arith.subf %sub3A_42, %sub3A_47 : vector<16xf32>
        %select_n3A_49 = arith.select %gt3A_45, %sub3A_48, %sub3A_42 : vector<16xi1>, vector<16xf32>
        %le3A_50 = arith.constant -3.000000e+00 : f32
        %le3A_51 = vector.broadcast %le3A_50 : f32 to vector<16xf32>
        %le3A_52 = arith.cmpf ole, %select_n3A_49, %le3A_51 : vector<16xf32>
        %add3A_53 = arith.constant 6.000000e+00 : f32
        %add3A_54 = vector.broadcast %add3A_53 : f32 to vector<16xf32>
        %add3A_55 = arith.addf %select_n3A_49, %add3A_54 : vector<16xf32>
        %select_n3A_56 = arith.select %le3A_52, %add3A_55, %select_n3A_49 : vector<16xi1>, vector<16xf32>
        %swap3A = arith.constant 0 : i32
        %swap3A_57 = arith.index_cast %swap3A : i32 to index
        %swap3A_58 = arith.index_cast %mul3A_22 : i32 to index
        %swap3A_59 = tpu.vector_load %arg11[%swap3A_57, %swap3A_58] {strides = array<i32>} : memref<8x2048xf32, #tpu.memory_space<vmem>>, vector<16xf32>,
        tpu.vector_store %arg11[%swap3A_57, %swap3A_58], %gather3A {strides = array<i32>} : memref<8x2048xf32, #tpu.memory_space<vmem>>, vector<16xf32>,
        %swap3A_60 = arith.constant 1 : i32
        %swap3A_61 = arith.index_cast %swap3A_60 : i32 to index
        %swap3A_62 = arith.index_cast %mul3A_22 : i32 to index
        %swap3A_63 = tpu.vector_load %arg11[%swap3A_61, %swap3A_62] {strides = array<i32>} : memref<8x2048xf32, #tpu.memory_space<vmem>>, vector<16xf32>,
        tpu.vector_store %arg11[%swap3A_61, %swap3A_62], %gather3A_26 {strides = array<i32>} : memref<8x2048xf32, #tpu.memory_space<vmem>>, vector<16xf32>,
        %swap3A_64 = arith.constant 2 : i32
        %swap3A_65 = arith.index_cast %swap3A_64 : i32 to index
        %swap3A_66 = arith.index_cast %mul3A_22 : i32 to index
        %swap3A_67 = tpu.vector_load %arg11[%swap3A_65, %swap3A_66] {strides = array<i32>} : memref<8x2048xf32, #tpu.memory_space<vmem>>, vector<16xf32>,
        tpu.vector_store %arg11[%swap3A_65, %swap3A_66], %gather3A_27 {strides = array<i32>} : memref<8x2048xf32, #tpu.memory_space<vmem>>, vector<16xf32>,
        %swap3A_68 = arith.constant 3 : i32
        %swap3A_69 = arith.index_cast %swap3A_68 : i32 to index
        %swap3A_70 = arith.index_cast %mul3A_22 : i32 to index
        %swap3A_71 = tpu.vector_load %arg11[%swap3A_69, %swap3A_70] {strides = array<i32>} : memref<8x2048xf32, #tpu.memory_space<vmem>>, vector<16xf32>,
        tpu.vector_store %arg11[%swap3A_69, %swap3A_70], %gather3A_28 {strides = array<i32>} : memref<8x2048xf32, #tpu.memory_space<vmem>>, vector<16xf32>,
        %swap3A_72 = arith.constant 4 : i32
        %swap3A_73 = arith.index_cast %swap3A_72 : i32 to index
        %swap3A_74 = arith.index_cast %mul3A_22 : i32 to index
        %swap3A_75 = tpu.vector_load %arg11[%swap3A_73, %swap3A_74] {strides = array<i32>} : memref<8x2048xf32, #tpu.memory_space<vmem>>, vector<16xf32>,
        tpu.vector_store %arg11[%swap3A_73, %swap3A_74], %gather3A_29 {strides = array<i32>} : memref<8x2048xf32, #tpu.memory_space<vmem>>, vector<16xf32>,
        %swap3A_76 = arith.constant 5 : i32
        %swap3A_77 = arith.index_cast %swap3A_76 : i32 to index
        %swap3A_78 = arith.index_cast %mul3A_22 : i32 to index
        %swap3A_79 = tpu.vector_load %arg11[%swap3A_77, %swap3A_78] {strides = array<i32>} : memref<8x2048xf32, #tpu.memory_space<vmem>>, vector<16xf32>,
        tpu.vector_store %arg11[%swap3A_77, %swap3A_78], %gather3A_30 {strides = array<i32>} : memref<8x2048xf32, #tpu.memory_space<vmem>>, vector<16xf32>,
        %swap3A_80 = arith.constant 6 : i32
        %swap3A_81 = arith.index_cast %swap3A_80 : i32 to index
        %swap3A_82 = arith.index_cast %mul3A_22 : i32 to index
        %swap3A_83 = tpu.vector_load %arg11[%swap3A_81, %swap3A_82] {strides = array<i32>} : memref<8x2048xf32, #tpu.memory_space<vmem>>, vector<16xf32>,
        tpu.vector_store %arg11[%swap3A_81, %swap3A_82], %select_n3A_41 {strides = array<i32>} : memref<8x2048xf32, #tpu.memory_space<vmem>>, vector<16xf32>,
        %swap3A_84 = arith.constant 7 : i32
        %swap3A_85 = arith.index_cast %swap3A_84 : i32 to index
        %swap3A_86 = arith.index_cast %mul3A_22 : i32 to index
        %swap3A_87 = tpu.vector_load %arg11[%swap3A_85, %swap3A_86] {strides = array<i32>} : memref<8x2048xf32, #tpu.memory_space<vmem>>, vector<16xf32>,
        tpu.vector_store %arg11[%swap3A_85, %swap3A_86], %select_n3A_56 {strides = array<i32>} : memref<8x2048xf32, #tpu.memory_space<vmem>>, vector<16xf32>,
      }
      %scan3A_19 = arith.constant 128 : i32
      "tpu.region"() ({
        %run_scoped3A_20 = tpu.sem_alloc : memref<!tpu.dma_semaphore, #tpu.memory_space<semaphore_mem>>
        %dma_start3A = arith.constant 0 : i32
        %dma_start3A_21 = tpu.memref_slice %arg5[%dma_start3A, %add3A_13] : memref<8x327680xf32, #tpu.memory_space<hbm>> -> memref<8x2048xf32, #tpu.memory_space<hbm>>
        %dma_start3A_22 = arith.constant 0 : i32
        %dma_start3A_23 = tpu.memref_slice %arg5[%dma_start3A_22, %add3A_13] : memref<8x327680xf32, #tpu.memory_space<hbm>> -> memref<8x2048xf32, #tpu.memory_space<hbm>>
        tpu.enqueue_dma source(%arg11 : memref<8x2048xf32, #tpu.memory_space<vmem>>) target(%dma_start3A_23 : memref<8x2048xf32, #tpu.memory_space<hbm>>) target_semaphore(%run_scoped3A_20 : memref<!tpu.dma_semaphore, #tpu.memory_space<semaphore_mem>>)
        %dma_wait3A = arith.constant 0 : i32
        %dma_wait3A_24 = tpu.memref_slice %arg5[%dma_wait3A, %add3A_13] : memref<8x327680xf32, #tpu.memory_space<hbm>> -> memref<8x2048xf32, #tpu.memory_space<hbm>>
        %dma_wait3A_25 = arith.constant 0 : i32
        %dma_wait3A_26 = tpu.memref_slice %arg5[%dma_wait3A_25, %add3A_13] : memref<8x327680xf32, #tpu.memory_space<hbm>> -> memref<8x2048xf32, #tpu.memory_space<hbm>>
        tpu.wait_dma2 semaphore(%run_scoped3A_20 : memref<!tpu.dma_semaphore, #tpu.memory_space<semaphore_mem>>) src(%arg11 : memref<8x2048xf32, #tpu.memory_space<vmem>>) dst(%dma_wait3A_26 : memref<8x2048xf32, #tpu.memory_space<hbm>>)
        tpu.yield
      }) : () -> ()
    }
    %scan3A_9 = arith.constant 5 : i32
    return
  }
}

module attributes {stable_mosaic.version = 14 : i64} {
  func.func @_tc_body(%arg0: i32, %arg1: memref<8x4096xf32, #tpu.memory_space<vmem>>, %arg2: memref<8x128xf32, #tpu.memory_space<vmem>>, %arg3: memref<150x8xf32, #tpu.memory_space<vmem>>, %arg4: memref<150x1xf32, #tpu.memory_space<vmem>>, %arg5: memref<150x150xf32, #tpu.memory_space<vmem>>, %arg6: memref<150x1xf32, #tpu.memory_space<vmem>>, %arg7: memref<100x150xf32, #tpu.memory_space<vmem>>, %arg8: memref<100x8xf32, #tpu.memory_space<vmem>>, %arg9: memref<100x1xf32, #tpu.memory_space<vmem>>, %arg10: memref<100x100xf32, #tpu.memory_space<vmem>>, %arg11: memref<100x1xf32, #tpu.memory_space<vmem>>, %arg12: memref<100x100xf32, #tpu.memory_space<vmem>>, %arg13: memref<100x1xf32, #tpu.memory_space<vmem>>, %arg14: memref<4x100xf32, #tpu.memory_space<vmem>>, %arg15: memref<4x1xf32, #tpu.memory_space<vmem>>, %arg16: memref<4x128xf32, #tpu.memory_space<vmem>>) attributes {dimension_semantics = [#tpu.dimension_semantics<arbitrary>], iteration_bounds = array<i64: 80>, scalar_prefetch = 0 : i64, scratch_operands = 0 : i64, tpu.core_type = #tpu.core_type<tc>, window_params = [{transform_indices = @transform_0, window_bounds = array<i64: 8, 4096>}, {transform_indices = @transform_1, window_bounds = array<i64: 8, 128>}, {pipeline_mode = #tpu.pipeline_mode<synchronous>, transform_indices = @transform_2, window_bounds = array<i64: 150, 8>}, {pipeline_mode = #tpu.pipeline_mode<synchronous>, transform_indices = @transform_3, window_bounds = array<i64: 150, 1>}, {pipeline_mode = #tpu.pipeline_mode<synchronous>, transform_indices = @transform_4, window_bounds = array<i64: 150, 150>}, {pipeline_mode = #tpu.pipeline_mode<synchronous>, transform_indices = @transform_5, window_bounds = array<i64: 150, 1>}, {pipeline_mode = #tpu.pipeline_mode<synchronous>, transform_indices = @transform_6, window_bounds = array<i64: 100, 150>}, {pipeline_mode = #tpu.pipeline_mode<synchronous>, transform_indices = @transform_7, window_bounds = array<i64: 100, 8>}, {pipeline_mode = #tpu.pipeline_mode<synchronous>, transform_indices = @transform_8, window_bounds = array<i64: 100, 1>}, {pipeline_mode = #tpu.pipeline_mode<synchronous>, transform_indices = @transform_9, window_bounds = array<i64: 100, 100>}, {pipeline_mode = #tpu.pipeline_mode<synchronous>, transform_indices = @transform_10, window_bounds = array<i64: 100, 1>}, {pipeline_mode = #tpu.pipeline_mode<synchronous>, transform_indices = @transform_11, window_bounds = array<i64: 100, 100>}, {pipeline_mode = #tpu.pipeline_mode<synchronous>, transform_indices = @transform_12, window_bounds = array<i64: 100, 1>}, {pipeline_mode = #tpu.pipeline_mode<synchronous>, transform_indices = @transform_13, window_bounds = array<i64: 4, 100>}, {pipeline_mode = #tpu.pipeline_mode<synchronous>, transform_indices = @transform_14, window_bounds = array<i64: 4, 1>}, {transform_indices = @transform_15, window_bounds = array<i64: 4, 128>}]} {
    %get3A = arith.constant 0 : index
    %get3A_0 = arith.constant 0 : index
    %get3A_1 = vector.load %arg1[%get3A, %get3A_0] : memref<8x4096xf32, #tpu.memory_space<vmem>>, vector<8x4096xf32>
    %get3A_2 = arith.constant 0 : index
    %get3A_3 = arith.constant 0 : index
    %get3A_4 = vector.load %arg3[%get3A_2, %get3A_3] : memref<150x8xf32, #tpu.memory_space<vmem>>, vector<150x8xf32>
    %convert_element_type3A = arith.truncf %get3A_4 : vector<150x8xf32> to vector<150x8xbf16>
    %convert_element_type3A_5 = arith.extf %convert_element_type3A : vector<150x8xbf16> to vector<150x8xf32>
    %sub3A = arith.subf %get3A_4, %convert_element_type3A_5 : vector<150x8xf32>
    %convert_element_type3A_6 = arith.truncf %sub3A : vector<150x8xf32> to vector<150x8xbf16>
    %convert_element_type3A_7 = arith.truncf %get3A_1 : vector<8x4096xf32> to vector<8x4096xbf16>
    %convert_element_type3A_8 = arith.extf %convert_element_type3A_7 : vector<8x4096xbf16> to vector<8x4096xf32>
    %sub3A_9 = arith.subf %get3A_1, %convert_element_type3A_8 : vector<8x4096xf32>
    %convert_element_type3A_10 = arith.truncf %sub3A_9 : vector<8x4096xf32> to vector<8x4096xbf16>
    %dot_general3A = arith.constant dense<0.000000e+00> : vector<150x4096xf32>
    %dot_general3A_11 = tpu.matmul %convert_element_type3A_6, %convert_element_type3A_7, %dot_general3A {dimension_numbers = #tpu.dot_dimension_numbers<[1], [0], [0], [1], [0, 0, 1, 1], [], []>, transpose_lhs_hint = false} : vector<150x8xbf16>, vector<8x4096xbf16>, vector<150x4096xf32> -> vector<150x4096xf32>
    %dot_general3A_12 = arith.constant dense<0.000000e+00> : vector<150x4096xf32>
    %dot_general3A_13 = tpu.matmul %convert_element_type3A, %convert_element_type3A_10, %dot_general3A_12 {dimension_numbers = #tpu.dot_dimension_numbers<[1], [0], [0], [1], [0, 0, 1, 1], [], []>, transpose_lhs_hint = false} : vector<150x8xbf16>, vector<8x4096xbf16>, vector<150x4096xf32> -> vector<150x4096xf32>
    %add3A = arith.addf %dot_general3A_11, %dot_general3A_13 : vector<150x4096xf32>
    %dot_general3A_14 = arith.constant dense<0.000000e+00> : vector<150x4096xf32>
    %dot_general3A_15 = tpu.matmul %convert_element_type3A, %convert_element_type3A_7, %dot_general3A_14 {dimension_numbers = #tpu.dot_dimension_numbers<[1], [0], [0], [1], [0, 0, 1, 1], [], []>, transpose_lhs_hint = false} : vector<150x8xbf16>, vector<8x4096xbf16>, vector<150x4096xf32> -> vector<150x4096xf32>
    %add3A_16 = arith.addf %add3A, %dot_general3A_15 : vector<150x4096xf32>
    %get3A_17 = arith.constant 0 : index
    %get3A_18 = arith.constant 0 : index
    %get3A_19 = vector.load %arg4[%get3A_17, %get3A_18] : memref<150x1xf32, #tpu.memory_space<vmem>>, vector<150x1xf32>
    %add3A_20 = vector.broadcast %get3A_19 : vector<150x1xf32> to vector<150x4096xf32>
    %add3A_21 = arith.addf %add3A_16, %add3A_20 : vector<150x4096xf32>
    %max3A = arith.constant 0.000000e+00 : f32
    %max3A_22 = vector.broadcast %max3A : f32 to vector<150x4096xf32>
    %max3A_23 = arith.maximumf %add3A_21, %max3A_22 : vector<150x4096xf32>
    %get3A_24 = arith.constant 0 : index
    %get3A_25 = arith.constant 0 : index
    %get3A_26 = vector.load %arg5[%get3A_24, %get3A_25] : memref<150x150xf32, #tpu.memory_space<vmem>>, vector<150x150xf32>
    %convert_element_type3A_27 = arith.truncf %get3A_26 : vector<150x150xf32> to vector<150x150xbf16>
    %convert_element_type3A_28 = arith.extf %convert_element_type3A_27 : vector<150x150xbf16> to vector<150x150xf32>
    %sub3A_29 = arith.subf %get3A_26, %convert_element_type3A_28 : vector<150x150xf32>
    %convert_element_type3A_30 = arith.truncf %sub3A_29 : vector<150x150xf32> to vector<150x150xbf16>
    %convert_element_type3A_31 = arith.truncf %max3A_23 : vector<150x4096xf32> to vector<150x4096xbf16>
    %convert_element_type3A_32 = arith.extf %convert_element_type3A_31 : vector<150x4096xbf16> to vector<150x4096xf32>
    %sub3A_33 = arith.subf %max3A_23, %convert_element_type3A_32 : vector<150x4096xf32>
    %convert_element_type3A_34 = arith.truncf %sub3A_33 : vector<150x4096xf32> to vector<150x4096xbf16>
    %dot_general3A_35 = arith.constant dense<0.000000e+00> : vector<150x4096xf32>
    %dot_general3A_36 = tpu.matmul %convert_element_type3A_30, %convert_element_type3A_31, %dot_general3A_35 {dimension_numbers = #tpu.dot_dimension_numbers<[1], [0], [0], [1], [0, 0, 1, 1], [], []>, transpose_lhs_hint = false} : vector<150x150xbf16>, vector<150x4096xbf16>, vector<150x4096xf32> -> vector<150x4096xf32>
    %dot_general3A_37 = arith.constant dense<0.000000e+00> : vector<150x4096xf32>
    %dot_general3A_38 = tpu.matmul %convert_element_type3A_27, %convert_element_type3A_34, %dot_general3A_37 {dimension_numbers = #tpu.dot_dimension_numbers<[1], [0], [0], [1], [0, 0, 1, 1], [], []>, transpose_lhs_hint = false} : vector<150x150xbf16>, vector<150x4096xbf16>, vector<150x4096xf32> -> vector<150x4096xf32>
    %add3A_39 = arith.addf %dot_general3A_36, %dot_general3A_38 : vector<150x4096xf32>
    %dot_general3A_40 = arith.constant dense<0.000000e+00> : vector<150x4096xf32>
    %dot_general3A_41 = tpu.matmul %convert_element_type3A_27, %convert_element_type3A_31, %dot_general3A_40 {dimension_numbers = #tpu.dot_dimension_numbers<[1], [0], [0], [1], [0, 0, 1, 1], [], []>, transpose_lhs_hint = false} : vector<150x150xbf16>, vector<150x4096xbf16>, vector<150x4096xf32> -> vector<150x4096xf32>
    %add3A_42 = arith.addf %add3A_39, %dot_general3A_41 : vector<150x4096xf32>
    %get3A_43 = arith.constant 0 : index
    %get3A_44 = arith.constant 0 : index
    %get3A_45 = vector.load %arg6[%get3A_43, %get3A_44] : memref<150x1xf32, #tpu.memory_space<vmem>>, vector<150x1xf32>
    %add3A_46 = vector.broadcast %get3A_45 : vector<150x1xf32> to vector<150x4096xf32>
    %add3A_47 = arith.addf %add3A_42, %add3A_46 : vector<150x4096xf32>
    %max3A_48 = arith.constant 0.000000e+00 : f32
    %max3A_49 = vector.broadcast %max3A_48 : f32 to vector<150x4096xf32>
    %max3A_50 = arith.maximumf %add3A_47, %max3A_49 : vector<150x4096xf32>
    %slice3A = vector.extract_strided_slice %max3A_50 {offsets = [0, 0], sizes = [150, 2048], strides = [1, 1]} : vector<150x4096xf32> to vector<150x2048xf32>
    %slice3A_51 = vector.extract_strided_slice %max3A_50 {offsets = [0, 2048], sizes = [150, 2048], strides = [1, 1]} : vector<150x4096xf32> to vector<150x2048xf32>
    %add3A_52 = arith.addf %slice3A, %slice3A_51 : vector<150x2048xf32>
    %slice3A_53 = vector.extract_strided_slice %add3A_52 {offsets = [0, 0], sizes = [150, 1024], strides = [1, 1]} : vector<150x2048xf32> to vector<150x1024xf32>
    %slice3A_54 = vector.extract_strided_slice %add3A_52 {offsets = [0, 1024], sizes = [150, 1024], strides = [1, 1]} : vector<150x2048xf32> to vector<150x1024xf32>
    %add3A_55 = arith.addf %slice3A_53, %slice3A_54 : vector<150x1024xf32>
    %slice3A_56 = vector.extract_strided_slice %add3A_55 {offsets = [0, 0], sizes = [150, 512], strides = [1, 1]} : vector<150x1024xf32> to vector<150x512xf32>
    %slice3A_57 = vector.extract_strided_slice %add3A_55 {offsets = [0, 512], sizes = [150, 512], strides = [1, 1]} : vector<150x1024xf32> to vector<150x512xf32>
    %add3A_58 = arith.addf %slice3A_56, %slice3A_57 : vector<150x512xf32>
    %slice3A_59 = vector.extract_strided_slice %add3A_58 {offsets = [0, 0], sizes = [150, 256], strides = [1, 1]} : vector<150x512xf32> to vector<150x256xf32>
    %slice3A_60 = vector.extract_strided_slice %add3A_58 {offsets = [0, 256], sizes = [150, 256], strides = [1, 1]} : vector<150x512xf32> to vector<150x256xf32>
    %add3A_61 = arith.addf %slice3A_59, %slice3A_60 : vector<150x256xf32>
    %slice3A_62 = vector.extract_strided_slice %add3A_61 {offsets = [0, 0], sizes = [150, 128], strides = [1, 1]} : vector<150x256xf32> to vector<150x128xf32>
    %slice3A_63 = vector.extract_strided_slice %add3A_61 {offsets = [0, 128], sizes = [150, 128], strides = [1, 1]} : vector<150x256xf32> to vector<150x128xf32>
    %add3A_64 = arith.addf %slice3A_62, %slice3A_63 : vector<150x128xf32>
    %get3A_65 = arith.constant 0 : index
    %get3A_66 = arith.constant 0 : index
    %get3A_67 = vector.load %arg2[%get3A_65, %get3A_66] : memref<8x128xf32, #tpu.memory_space<vmem>>, vector<8x128xf32>
    %get3A_68 = arith.constant 0 : index
    %get3A_69 = arith.constant 0 : index
    %get3A_70 = vector.load %arg7[%get3A_68, %get3A_69] : memref<100x150xf32, #tpu.memory_space<vmem>>, vector<100x150xf32>
    %convert_element_type3A_71 = arith.truncf %get3A_70 : vector<100x150xf32> to vector<100x150xbf16>
    %convert_element_type3A_72 = arith.extf %convert_element_type3A_71 : vector<100x150xbf16> to vector<100x150xf32>
    %sub3A_73 = arith.subf %get3A_70, %convert_element_type3A_72 : vector<100x150xf32>
    %convert_element_type3A_74 = arith.truncf %sub3A_73 : vector<100x150xf32> to vector<100x150xbf16>
    %convert_element_type3A_75 = arith.truncf %add3A_64 : vector<150x128xf32> to vector<150x128xbf16>
    %convert_element_type3A_76 = arith.extf %convert_element_type3A_75 : vector<150x128xbf16> to vector<150x128xf32>
    %sub3A_77 = arith.subf %add3A_64, %convert_element_type3A_76 : vector<150x128xf32>
    %convert_element_type3A_78 = arith.truncf %sub3A_77 : vector<150x128xf32> to vector<150x128xbf16>
    %dot_general3A_79 = arith.constant dense<0.000000e+00> : vector<100x128xf32>
    %dot_general3A_80 = tpu.matmul %convert_element_type3A_74, %convert_element_type3A_75, %dot_general3A_79 {dimension_numbers = #tpu.dot_dimension_numbers<[1], [0], [0], [1], [0, 0, 1, 1], [], []>, transpose_lhs_hint = false} : vector<100x150xbf16>, vector<150x128xbf16>, vector<100x128xf32> -> vector<100x128xf32>
    %dot_general3A_81 = arith.constant dense<0.000000e+00> : vector<100x128xf32>
    %dot_general3A_82 = tpu.matmul %convert_element_type3A_71, %convert_element_type3A_78, %dot_general3A_81 {dimension_numbers = #tpu.dot_dimension_numbers<[1], [0], [0], [1], [0, 0, 1, 1], [], []>, transpose_lhs_hint = false} : vector<100x150xbf16>, vector<150x128xbf16>, vector<100x128xf32> -> vector<100x128xf32>
    %add3A_83 = arith.addf %dot_general3A_80, %dot_general3A_82 : vector<100x128xf32>
    %dot_general3A_84 = arith.constant dense<0.000000e+00> : vector<100x128xf32>
    %dot_general3A_85 = tpu.matmul %convert_element_type3A_71, %convert_element_type3A_75, %dot_general3A_84 {dimension_numbers = #tpu.dot_dimension_numbers<[1], [0], [0], [1], [0, 0, 1, 1], [], []>, transpose_lhs_hint = false} : vector<100x150xbf16>, vector<150x128xbf16>, vector<100x128xf32> -> vector<100x128xf32>
    %add3A_86 = arith.addf %add3A_83, %dot_general3A_85 : vector<100x128xf32>
    %get3A_87 = arith.constant 0 : index
    %get3A_88 = arith.constant 0 : index
    %get3A_89 = vector.load %arg8[%get3A_87, %get3A_88] : memref<100x8xf32, #tpu.memory_space<vmem>>, vector<100x8xf32>
    %convert_element_type3A_90 = arith.truncf %get3A_89 : vector<100x8xf32> to vector<100x8xbf16>
    %convert_element_type3A_91 = arith.extf %convert_element_type3A_90 : vector<100x8xbf16> to vector<100x8xf32>
    %sub3A_92 = arith.subf %get3A_89, %convert_element_type3A_91 : vector<100x8xf32>
    %convert_element_type3A_93 = arith.truncf %sub3A_92 : vector<100x8xf32> to vector<100x8xbf16>
    %convert_element_type3A_94 = arith.truncf %get3A_67 : vector<8x128xf32> to vector<8x128xbf16>
    %convert_element_type3A_95 = arith.extf %convert_element_type3A_94 : vector<8x128xbf16> to vector<8x128xf32>
    %sub3A_96 = arith.subf %get3A_67, %convert_element_type3A_95 : vector<8x128xf32>
    %convert_element_type3A_97 = arith.truncf %sub3A_96 : vector<8x128xf32> to vector<8x128xbf16>
    %dot_general3A_98 = arith.constant dense<0.000000e+00> : vector<100x128xf32>
    %dot_general3A_99 = tpu.matmul %convert_element_type3A_93, %convert_element_type3A_94, %dot_general3A_98 {dimension_numbers = #tpu.dot_dimension_numbers<[1], [0], [0], [1], [0, 0, 1, 1], [], []>, transpose_lhs_hint = false} : vector<100x8xbf16>, vector<8x128xbf16>, vector<100x128xf32> -> vector<100x128xf32>
    %dot_general3A_100 = arith.constant dense<0.000000e+00> : vector<100x128xf32>
    %dot_general3A_101 = tpu.matmul %convert_element_type3A_90, %convert_element_type3A_97, %dot_general3A_100 {dimension_numbers = #tpu.dot_dimension_numbers<[1], [0], [0], [1], [0, 0, 1, 1], [], []>, transpose_lhs_hint = false} : vector<100x8xbf16>, vector<8x128xbf16>, vector<100x128xf32> -> vector<100x128xf32>
    %add3A_102 = arith.addf %dot_general3A_99, %dot_general3A_101 : vector<100x128xf32>
    %dot_general3A_103 = arith.constant dense<0.000000e+00> : vector<100x128xf32>
    %dot_general3A_104 = tpu.matmul %convert_element_type3A_90, %convert_element_type3A_94, %dot_general3A_103 {dimension_numbers = #tpu.dot_dimension_numbers<[1], [0], [0], [1], [0, 0, 1, 1], [], []>, transpose_lhs_hint = false} : vector<100x8xbf16>, vector<8x128xbf16>, vector<100x128xf32> -> vector<100x128xf32>
    %add3A_105 = arith.addf %add3A_102, %dot_general3A_104 : vector<100x128xf32>
    %add3A_106 = arith.addf %add3A_86, %add3A_105 : vector<100x128xf32>
    %get3A_107 = arith.constant 0 : index
    %get3A_108 = arith.constant 0 : index
    %get3A_109 = vector.load %arg9[%get3A_107, %get3A_108] : memref<100x1xf32, #tpu.memory_space<vmem>>, vector<100x1xf32>
    %add3A_110 = vector.broadcast %get3A_109 : vector<100x1xf32> to vector<100x128xf32>
    %add3A_111 = arith.addf %add3A_106, %add3A_110 : vector<100x128xf32>
    %max3A_112 = arith.constant 0.000000e+00 : f32
    %max3A_113 = vector.broadcast %max3A_112 : f32 to vector<100x128xf32>
    %max3A_114 = arith.maximumf %add3A_111, %max3A_113 : vector<100x128xf32>
    %get3A_115 = arith.constant 0 : index
    %get3A_116 = arith.constant 0 : index
    %get3A_117 = vector.load %arg10[%get3A_115, %get3A_116] : memref<100x100xf32, #tpu.memory_space<vmem>>, vector<100x100xf32>
    %convert_element_type3A_118 = arith.truncf %get3A_117 : vector<100x100xf32> to vector<100x100xbf16>
    %convert_element_type3A_119 = arith.extf %convert_element_type3A_118 : vector<100x100xbf16> to vector<100x100xf32>
    %sub3A_120 = arith.subf %get3A_117, %convert_element_type3A_119 : vector<100x100xf32>
    %convert_element_type3A_121 = arith.truncf %sub3A_120 : vector<100x100xf32> to vector<100x100xbf16>
    %convert_element_type3A_122 = arith.truncf %max3A_114 : vector<100x128xf32> to vector<100x128xbf16>
    %convert_element_type3A_123 = arith.extf %convert_element_type3A_122 : vector<100x128xbf16> to vector<100x128xf32>
    %sub3A_124 = arith.subf %max3A_114, %convert_element_type3A_123 : vector<100x128xf32>
    %convert_element_type3A_125 = arith.truncf %sub3A_124 : vector<100x128xf32> to vector<100x128xbf16>
    %dot_general3A_126 = arith.constant dense<0.000000e+00> : vector<100x128xf32>
    %dot_general3A_127 = tpu.matmul %convert_element_type3A_121, %convert_element_type3A_122, %dot_general3A_126 {dimension_numbers = #tpu.dot_dimension_numbers<[1], [0], [0], [1], [0, 0, 1, 1], [], []>, transpose_lhs_hint = false} : vector<100x100xbf16>, vector<100x128xbf16>, vector<100x128xf32> -> vector<100x128xf32>
    %dot_general3A_128 = arith.constant dense<0.000000e+00> : vector<100x128xf32>
    %dot_general3A_129 = tpu.matmul %convert_element_type3A_118, %convert_element_type3A_125, %dot_general3A_128 {dimension_numbers = #tpu.dot_dimension_numbers<[1], [0], [0], [1], [0, 0, 1, 1], [], []>, transpose_lhs_hint = false} : vector<100x100xbf16>, vector<100x128xbf16>, vector<100x128xf32> -> vector<100x128xf32>
    %add3A_130 = arith.addf %dot_general3A_127, %dot_general3A_129 : vector<100x128xf32>
    %dot_general3A_131 = arith.constant dense<0.000000e+00> : vector<100x128xf32>
    %dot_general3A_132 = tpu.matmul %convert_element_type3A_118, %convert_element_type3A_122, %dot_general3A_131 {dimension_numbers = #tpu.dot_dimension_numbers<[1], [0], [0], [1], [0, 0, 1, 1], [], []>, transpose_lhs_hint = false} : vector<100x100xbf16>, vector<100x128xbf16>, vector<100x128xf32> -> vector<100x128xf32>
    %add3A_133 = arith.addf %add3A_130, %dot_general3A_132 : vector<100x128xf32>
    %get3A_134 = arith.constant 0 : index
    %get3A_135 = arith.constant 0 : index
    %get3A_136 = vector.load %arg11[%get3A_134, %get3A_135] : memref<100x1xf32, #tpu.memory_space<vmem>>, vector<100x1xf32>
    %add3A_137 = vector.broadcast %get3A_136 : vector<100x1xf32> to vector<100x128xf32>
    %add3A_138 = arith.addf %add3A_133, %add3A_137 : vector<100x128xf32>
    %max3A_139 = arith.constant 0.000000e+00 : f32
    %max3A_140 = vector.broadcast %max3A_139 : f32 to vector<100x128xf32>
    %max3A_141 = arith.maximumf %add3A_138, %max3A_140 : vector<100x128xf32>
    %get3A_142 = arith.constant 0 : index
    %get3A_143 = arith.constant 0 : index
    %get3A_144 = vector.load %arg12[%get3A_142, %get3A_143] : memref<100x100xf32, #tpu.memory_space<vmem>>, vector<100x100xf32>
    %convert_element_type3A_145 = arith.truncf %get3A_144 : vector<100x100xf32> to vector<100x100xbf16>
    %convert_element_type3A_146 = arith.extf %convert_element_type3A_145 : vector<100x100xbf16> to vector<100x100xf32>
    %sub3A_147 = arith.subf %get3A_144, %convert_element_type3A_146 : vector<100x100xf32>
    %convert_element_type3A_148 = arith.truncf %sub3A_147 : vector<100x100xf32> to vector<100x100xbf16>
    %convert_element_type3A_149 = arith.truncf %max3A_141 : vector<100x128xf32> to vector<100x128xbf16>
    %convert_element_type3A_150 = arith.extf %convert_element_type3A_149 : vector<100x128xbf16> to vector<100x128xf32>
    %sub3A_151 = arith.subf %max3A_141, %convert_element_type3A_150 : vector<100x128xf32>
    %convert_element_type3A_152 = arith.truncf %sub3A_151 : vector<100x128xf32> to vector<100x128xbf16>
    %dot_general3A_153 = arith.constant dense<0.000000e+00> : vector<100x128xf32>
    %dot_general3A_154 = tpu.matmul %convert_element_type3A_148, %convert_element_type3A_149, %dot_general3A_153 {dimension_numbers = #tpu.dot_dimension_numbers<[1], [0], [0], [1], [0, 0, 1, 1], [], []>, transpose_lhs_hint = false} : vector<100x100xbf16>, vector<100x128xbf16>, vector<100x128xf32> -> vector<100x128xf32>
    %dot_general3A_155 = arith.constant dense<0.000000e+00> : vector<100x128xf32>
    %dot_general3A_156 = tpu.matmul %convert_element_type3A_145, %convert_element_type3A_152, %dot_general3A_155 {dimension_numbers = #tpu.dot_dimension_numbers<[1], [0], [0], [1], [0, 0, 1, 1], [], []>, transpose_lhs_hint = false} : vector<100x100xbf16>, vector<100x128xbf16>, vector<100x128xf32> -> vector<100x128xf32>
    %add3A_157 = arith.addf %dot_general3A_154, %dot_general3A_156 : vector<100x128xf32>
    %dot_general3A_158 = arith.constant dense<0.000000e+00> : vector<100x128xf32>
    %dot_general3A_159 = tpu.matmul %convert_element_type3A_145, %convert_element_type3A_149, %dot_general3A_158 {dimension_numbers = #tpu.dot_dimension_numbers<[1], [0], [0], [1], [0, 0, 1, 1], [], []>, transpose_lhs_hint = false} : vector<100x100xbf16>, vector<100x128xbf16>, vector<100x128xf32> -> vector<100x128xf32>
    %add3A_160 = arith.addf %add3A_157, %dot_general3A_159 : vector<100x128xf32>
    %get3A_161 = arith.constant 0 : index
    %get3A_162 = arith.constant 0 : index
    %get3A_163 = vector.load %arg13[%get3A_161, %get3A_162] : memref<100x1xf32, #tpu.memory_space<vmem>>, vector<100x1xf32>
    %add3A_164 = vector.broadcast %get3A_163 : vector<100x1xf32> to vector<100x128xf32>
    %add3A_165 = arith.addf %add3A_160, %add3A_164 : vector<100x128xf32>
    %max3A_166 = arith.constant 0.000000e+00 : f32
    %max3A_167 = vector.broadcast %max3A_166 : f32 to vector<100x128xf32>
    %max3A_168 = arith.maximumf %add3A_165, %max3A_167 : vector<100x128xf32>
    %slice3A_169 = vector.extract_strided_slice %get3A_67 {offsets = [0, 0], sizes = [4, 128], strides = [1, 1]} : vector<8x128xf32> to vector<4x128xf32>
    %get3A_170 = arith.constant 0 : index
    %get3A_171 = arith.constant 0 : index
    %get3A_172 = vector.load %arg14[%get3A_170, %get3A_171] : memref<4x100xf32, #tpu.memory_space<vmem>>, vector<4x100xf32>
    %convert_element_type3A_173 = arith.truncf %get3A_172 : vector<4x100xf32> to vector<4x100xbf16>
    %convert_element_type3A_174 = arith.extf %convert_element_type3A_173 : vector<4x100xbf16> to vector<4x100xf32>
    %sub3A_175 = arith.subf %get3A_172, %convert_element_type3A_174 : vector<4x100xf32>
    %convert_element_type3A_176 = arith.truncf %sub3A_175 : vector<4x100xf32> to vector<4x100xbf16>
    %convert_element_type3A_177 = arith.truncf %max3A_168 : vector<100x128xf32> to vector<100x128xbf16>
    %convert_element_type3A_178 = arith.extf %convert_element_type3A_177 : vector<100x128xbf16> to vector<100x128xf32>
    %sub3A_179 = arith.subf %max3A_168, %convert_element_type3A_178 : vector<100x128xf32>
    %convert_element_type3A_180 = arith.truncf %sub3A_179 : vector<100x128xf32> to vector<100x128xbf16>
    %dot_general3A_181 = arith.constant dense<0.000000e+00> : vector<4x128xf32>
    %dot_general3A_182 = tpu.matmul %convert_element_type3A_176, %convert_element_type3A_177, %dot_general3A_181 {dimension_numbers = #tpu.dot_dimension_numbers<[1], [0], [0], [1], [0, 0, 1, 1], [], []>, transpose_lhs_hint = false} : vector<4x100xbf16>, vector<100x128xbf16>, vector<4x128xf32> -> vector<4x128xf32>
    %dot_general3A_183 = arith.constant dense<0.000000e+00> : vector<4x128xf32>
    %dot_general3A_184 = tpu.matmul %convert_element_type3A_173, %convert_element_type3A_180, %dot_general3A_183 {dimension_numbers = #tpu.dot_dimension_numbers<[1], [0], [0], [1], [0, 0, 1, 1], [], []>, transpose_lhs_hint = false} : vector<4x100xbf16>, vector<100x128xbf16>, vector<4x128xf32> -> vector<4x128xf32>
    %add3A_185 = arith.addf %dot_general3A_182, %dot_general3A_184 : vector<4x128xf32>
    %dot_general3A_186 = arith.constant dense<0.000000e+00> : vector<4x128xf32>
    %dot_general3A_187 = tpu.matmul %convert_element_type3A_173, %convert_element_type3A_177, %dot_general3A_186 {dimension_numbers = #tpu.dot_dimension_numbers<[1], [0], [0], [1], [0, 0, 1, 1], [], []>, transpose_lhs_hint = false} : vector<4x100xbf16>, vector<100x128xbf16>, vector<4x128xf32> -> vector<4x128xf32>
    %add3A_188 = arith.addf %add3A_185, %dot_general3A_187 : vector<4x128xf32>
    %add3A_189 = arith.addf %slice3A_169, %add3A_188 : vector<4x128xf32>
    %get3A_190 = arith.constant 0 : index
    %get3A_191 = arith.constant 0 : index
    %get3A_192 = vector.load %arg15[%get3A_190, %get3A_191] : memref<4x1xf32, #tpu.memory_space<vmem>>, vector<4x1xf32>
    %add3A_193 = vector.broadcast %get3A_192 : vector<4x1xf32> to vector<4x128xf32>
    %add3A_194 = arith.addf %add3A_189, %add3A_193 : vector<4x128xf32>
    %ge3A = arith.constant 3.000000e+00 : f32
    %ge3A_195 = vector.broadcast %ge3A : f32 to vector<4x128xf32>
    %ge3A_196 = arith.cmpf oge, %add3A_194, %ge3A_195 : vector<4x128xf32>
    %sub3A_197 = arith.constant 6.000000e+00 : f32
    %sub3A_198 = vector.broadcast %sub3A_197 : f32 to vector<4x128xf32>
    %sub3A_199 = arith.subf %add3A_194, %sub3A_198 : vector<4x128xf32>
    %select_n3A = arith.select %ge3A_196, %sub3A_199, %add3A_194 : vector<4x128xi1>, vector<4x128xf32>
    %lt3A = arith.constant -3.000000e+00 : f32
    %lt3A_200 = vector.broadcast %lt3A : f32 to vector<4x128xf32>
    %lt3A_201 = arith.cmpf olt, %select_n3A, %lt3A_200 : vector<4x128xf32>
    %add3A_202 = arith.constant 6.000000e+00 : f32
    %add3A_203 = vector.broadcast %add3A_202 : f32 to vector<4x128xf32>
    %add3A_204 = arith.addf %select_n3A, %add3A_203 : vector<4x128xf32>
    %select_n3A_205 = arith.select %lt3A_201, %add3A_204, %select_n3A : vector<4x128xi1>, vector<4x128xf32>
    %iota3A = tpu.iota {dimensions = array<i32: 0>} : vector<4x128xi32>
    %lt3A_206 = arith.constant 2 : i32
    %lt3A_207 = vector.broadcast %lt3A_206 : i32 to vector<4x128xi32>
    %lt3A_208 = arith.cmpi slt, %iota3A, %lt3A_207 : vector<4x128xi32>
    %select_n3A_209 = arith.select %lt3A_208, %select_n3A_205, %add3A_194 : vector<4x128xi1>, vector<4x128xf32>
    %swap3A = arith.constant 0 : index
    %swap3A_210 = arith.constant 0 : index
    %swap3A_211 = vector.load %arg16[%swap3A, %swap3A_210] : memref<4x128xf32, #tpu.memory_space<vmem>>, vector<4x128xf32>
    tpu.vector_store %arg16[%swap3A, %swap3A_210], %select_n3A_209 {strides = array<i32>} : memref<4x128xf32, #tpu.memory_space<vmem>>, vector<4x128xf32>,
    return
  }
  func.func @transform_0(%arg0: i32) -> (i32, i32) {
    %c0_i32 = arith.constant 0 : i32
    %c0_i32_0 = arith.constant 0 : i32
    return %c0_i32, %arg0 : i32, i32
  }
  func.func @transform_1(%arg0: i32) -> (i32, i32) {
    %c0_i32 = arith.constant 0 : i32
    %c0_i32_0 = arith.constant 0 : i32
    return %c0_i32, %arg0 : i32, i32
  }
  func.func @transform_2(%arg0: i32) -> (i32, i32) {
    %c0_i32 = arith.constant 0 : i32
    %c0_i32_0 = arith.constant 0 : i32
    %c0_i32_1 = arith.constant 0 : i32
    return %c0_i32, %c0_i32_0 : i32, i32
  }
  func.func @transform_3(%arg0: i32) -> (i32, i32) {
    %c0_i32 = arith.constant 0 : i32
    %c0_i32_0 = arith.constant 0 : i32
    %c0_i32_1 = arith.constant 0 : i32
    return %c0_i32, %c0_i32_0 : i32, i32
  }
  func.func @transform_4(%arg0: i32) -> (i32, i32) {
    %c0_i32 = arith.constant 0 : i32
    %c0_i32_0 = arith.constant 0 : i32
    %c0_i32_1 = arith.constant 0 : i32
    return %c0_i32, %c0_i32_0 : i32, i32
  }
  func.func @transform_5(%arg0: i32) -> (i32, i32) {
    %c0_i32 = arith.constant 0 : i32
    %c0_i32_0 = arith.constant 0 : i32
    %c0_i32_1 = arith.constant 0 : i32
    return %c0_i32, %c0_i32_0 : i32, i32
  }
  func.func @transform_6(%arg0: i32) -> (i32, i32) {
    %c0_i32 = arith.constant 0 : i32
    %c0_i32_0 = arith.constant 0 : i32
    %c0_i32_1 = arith.constant 0 : i32
    return %c0_i32, %c0_i32_0 : i32, i32
  }
  func.func @transform_7(%arg0: i32) -> (i32, i32) {
    %c0_i32 = arith.constant 0 : i32
    %c0_i32_0 = arith.constant 0 : i32
    %c0_i32_1 = arith.constant 0 : i32
    return %c0_i32, %c0_i32_0 : i32, i32
  }
  func.func @transform_8(%arg0: i32) -> (i32, i32) {
    %c0_i32 = arith.constant 0 : i32
    %c0_i32_0 = arith.constant 0 : i32
    %c0_i32_1 = arith.constant 0 : i32
    return %c0_i32, %c0_i32_0 : i32, i32
  }
  func.func @transform_9(%arg0: i32) -> (i32, i32) {
    %c0_i32 = arith.constant 0 : i32
    %c0_i32_0 = arith.constant 0 : i32
    %c0_i32_1 = arith.constant 0 : i32
    return %c0_i32, %c0_i32_0 : i32, i32
  }
  func.func @transform_10(%arg0: i32) -> (i32, i32) {
    %c0_i32 = arith.constant 0 : i32
    %c0_i32_0 = arith.constant 0 : i32
    %c0_i32_1 = arith.constant 0 : i32
    return %c0_i32, %c0_i32_0 : i32, i32
  }
  func.func @transform_11(%arg0: i32) -> (i32, i32) {
    %c0_i32 = arith.constant 0 : i32
    %c0_i32_0 = arith.constant 0 : i32
    %c0_i32_1 = arith.constant 0 : i32
    return %c0_i32, %c0_i32_0 : i32, i32
  }
  func.func @transform_12(%arg0: i32) -> (i32, i32) {
    %c0_i32 = arith.constant 0 : i32
    %c0_i32_0 = arith.constant 0 : i32
    %c0_i32_1 = arith.constant 0 : i32
    return %c0_i32, %c0_i32_0 : i32, i32
  }
  func.func @transform_13(%arg0: i32) -> (i32, i32) {
    %c0_i32 = arith.constant 0 : i32
    %c0_i32_0 = arith.constant 0 : i32
    %c0_i32_1 = arith.constant 0 : i32
    return %c0_i32, %c0_i32_0 : i32, i32
  }
  func.func @transform_14(%arg0: i32) -> (i32, i32) {
    %c0_i32 = arith.constant 0 : i32
    %c0_i32_0 = arith.constant 0 : i32
    %c0_i32_1 = arith.constant 0 : i32
    return %c0_i32, %c0_i32_0 : i32, i32
  }
  func.func @transform_15(%arg0: i32) -> (i32, i32) {
    %c0_i32 = arith.constant 0 : i32
    %c0_i32_0 = arith.constant 0 : i32
    return %c0_i32, %arg0 : i32, i32
  }
}

</mosaic_0001>

<sc_bundles>
// kernel: kernel.4.cloned.1.call-start
scs
__scs_entry_jumppad:
0x0: {  	(pc) =	sbr.rel $0x88, $3  }
0x1: {  	(tag) =	ssettag $0x0;
	lr =	simm.s32 $0x1  }
0x2: {  	[smem:$0x3F91] =	sst lr;
	_ =	strace $0xD0000000  }
0x3: {  	_ = 	snop  }
0x4: {  	_ = 	snop  }
0x5: {  	_ = 	snop  }
0x6: {  	_ = 	snop  }
0x7: {  	_ = 	snop  }
__scs_overlays_trampoline_lowered:
0x8: {  	[smem:$0x3FA0] =	sst s0  }
0x9: {  	[smem:$0x3FA1] =	sst s1  }
0xa: {  	[smem:$0x3FA2] =	sst s2  }
0xb: {  	[smem:$0x3FA3] =	sst s3  }
0xc: {  	[smem:$0x3FA4] =	sst s4  }
0xd: {  	[smem:$0x3FA5] =	sst s5  }
0xe: {  	[smem:$0x3FA6] =	sst s6  }
0xf: {  	[smem:$0x3FA7] =	sst s7  }
0x10: {  	[smem:$0x3FA8] =	sst s8  }
0x11: {  	[smem:$0x3FA9] =	sst s9;
	s0 =	simm.s32 @!p0 $0x0  }
0x12: {  	s1 =	sld [smem:$0x3F8F];
	s0 =	simm.s32 @p0 $0x1  }
0x13: {  	[smem:$0x3FAA] =	sst s0;
	s0 =	simm.s32 @!p1 $0x0  }
0x14: {  	s2 =	sld [smem:$0x3F8E];
	s0 =	simm.s32 @p1 $0x1  }
0x15: {  	[smem:$0x3FAB] =	sst s0;
	s0 =	simm.s32 @!p2 $0x0  }
0x16: {  	s3 =	sld [smem:$0x3FDB];
	s0 =	simm.s32 @p2 $0x1  }
0x17: {  	s4 =	simm.s32 $0x1BF5;
	[smem:$0x3FAD] =	sst s0  }
0x18: {  	s0 =	sld [smem:$0x3F90];
	_ =	swait.ge [sflag:s4], $0x0  }
0x19: {  	s7 =	sld [smem:$0x3F91]  }
0x1a: {  	s8 =	sadd.s32 $0xFFFFE003, lr  }
0x1b: {  	s9 =	sadd.s32 $0xFFFFFEF7, lr;
	s5 =	simm.s32 $0xFFFFFFFF;
	p2 =	slt.u32 s8, $0xFFFFF086  }
0x1c: {  	p1 =	slt.u32 s9, $0xF7A;
	s5 =	simm.s32 @!p2 $0x0  }
0x1d: {  	s5 =	simm.s32 @p1 $0x1;
	p0 =	seq.s32 s7, s2  }
0x1e: {  	s7 =	smul.u32 @!p0 $0xF7A, s2;
	p2 =	seq.s32 @!p0 s5, $0x0  }
0x1f: {  	s9 =	smul.u32 $0xF7A, s1;
	s8 =	simm.s32 @!p0 $0x1BF5;
	p2 =	por !p2, p0  }
0x20: {  	[sflag:s8] =	ssyncset.s32 @!p0 $0xFFFFF086;
	s6 =	sadd.s32 @!p0 s3, s7;
	s7 =	simm.s32 @!p0 $0x108  }
0x21: {  	s3 =	sadd.s32 s3, s9;
	s6 =	sadd.s32 @!p0 $0x88, s6;
	s7 =	simm.s32 @p2 $0x1082  }
0x22: {  	[simem:s7], [sflag:s8] =	dma.local @!p0 [hbm:s6], $0xF7A  }
0x23: {  	s9 =	sor.u32 $0xD0000000, s2;
	s6 =	simm.s32 $0x108;
	_ =	swait.ge @!p0 [sflag:s8], $0x0  }
0x24: {  	s3 =	sadd.s32 $0x88, s3;
	s6 =	simm.s32 @!p1 $0x1082;
	[sflag:s4] =	ssyncset.s32 $0xFFFFF086  }
0x25: {  	[simem:s6], [sflag:s4] =	dma.local [hbm:s3], $0xF7A  }
0x26: {  	[smem:$0x3F91] =	sst s1;
	(tag) =	ssettag s2;
	_ =	strace s9  }
0x27: {  	s1 =	sld [smem:$0x3FA1]  }
0x28: {  	s2 =	sld [smem:$0x3FA2]  }
0x29: {  	s4 =	sld [smem:$0x3FA4]  }
0x2a: {  	p0 =	seq.s32 s5, $0x0;
	s5 =	sld [smem:$0x3FA5]  }
0x2b: {  	s6 =	sld [smem:$0x3FA6]  }
0x2c: {  	s7 =	sld [smem:$0x3FA7]  }
0x2d: {  	s3 =	simm.s32 $0x108;
	s8 =	sld [smem:$0x3FA8]  }
0x2e: {  	s3 =	simm.s32 @!p0 $0x1082;
	s9 =	sld [smem:$0x3FA9]  }
0x2f: {  	lr =	sadd.s32 s0, s3;
	s0 =	sld [smem:$0x3FA0]  }
0x30: {  	s3 =	sld [smem:$0x3FA3]  }
0x31: {  	[smem:$0x3FAC] =	sst s10  }
0x32: {  	s10 =	sld [smem:$0x3FAA];
	_ =	sdelay $0x3  }
0x33: {  	p0 =	seq.s32 s10, $0x1;
	s10 =	sld [smem:$0x3FAC];
	_ =	sdelay $0x3  }
0x34: {  	[smem:$0x3FAC] =	sst s10  }
0x35: {  	s10 =	sld [smem:$0x3FAB];
	_ =	sdelay $0x3  }
0x36: {  	p1 =	seq.s32 s10, $0x1;
	s10 =	sld [smem:$0x3FAC];
	_ =	sdelay $0x3  }
0x37: {  	[smem:$0x3FAC] =	sst s10  }
0x38: {  	s10 =	sld [smem:$0x3FAD]  }
0x39: {  	_ = 	snop;
	(pc) =	sbr.ind lr, $3  }
0x3a: {  	_ = 	snop  }
0x3b: {  	_ = 	snop  }
0x3c: {  	p2 =	seq.s32 s10, $0x1;
	s10 =	sld [smem:$0x3FAC]  }
0x3d: {  	_ =	shalt  }
0x3e: {  	_ =	shalt  }
0x3f: {  	_ =	shalt  }
0x40: {  	_ =	shalt  }
0x41: {  	_ =	shalt  }
0x42: {  	_ =	shalt  }
0x43: {  	_ =	shalt  }
0x44: {  	_ =	shalt  }
0x45: {  	_ =	shalt  }
0x46: {  	_ =	shalt  }
0x47: {  	_ =	shalt  }
0x48: {  	_ =	shalt  }
0x49: {  	_ =	shalt  }
0x4a: {  	_ =	shalt  }
0x4b: {  	_ =	shalt  }
0x4c: {  	_ =	shalt  }
0x4d: {  	_ =	shalt  }
0x4e: {  	_ =	shalt  }
0x4f: {  	_ =	shalt  }
0x50: {  	_ =	shalt  }
0x51: {  	_ =	shalt  }
0x52: {  	_ =	shalt  }
0x53: {  	_ =	shalt  }
0x54: {  	_ =	shalt  }
0x55: {  	_ =	shalt  }
0x56: {  	_ =	shalt  }
0x57: {  	_ =	shalt  }
0x58: {  	_ =	shalt  }
0x59: {  	_ =	shalt  }
0x5a: {  	_ =	shalt  }
0x5b: {  	_ =	shalt  }
0x5c: {  	_ =	shalt  }
0x5d: {  	_ =	shalt  }
0x5e: {  	_ =	shalt  }
0x5f: {  	_ =	shalt  }
0x60: {  	_ =	shalt  }
0x61: {  	_ =	shalt  }
0x62: {  	_ =	shalt  }
0x63: {  	_ =	shalt  }
0x64: {  	_ =	shalt  }
0x65: {  	_ =	shalt  }
0x66: {  	_ =	shalt  }
0x67: {  	_ =	shalt  }
0x68: {  	_ =	shalt  }
0x69: {  	_ =	shalt  }
0x6a: {  	_ =	shalt  }
0x6b: {  	_ =	shalt  }
0x6c: {  	_ =	shalt  }
0x6d: {  	_ =	shalt  }
0x6e: {  	_ =	shalt  }
0x6f: {  	_ =	shalt  }
0x70: {  	_ =	shalt  }
0x71: {  	_ =	shalt  }
0x72: {  	_ =	shalt  }
0x73: {  	_ =	shalt  }
0x74: {  	_ =	shalt  }
0x75: {  	_ =	shalt  }
0x76: {  	_ =	shalt  }
0x77: {  	_ =	shalt  }
0x78: {  	_ =	shalt  }
0x79: {  	_ =	shalt  }
0x7a: {  	_ =	shalt  }
0x7b: {  	_ =	shalt  }
0x7c: {  	_ =	shalt  }
0x7d: {  	_ =	shalt  }
0x7e: {  	_ =	shalt  }
0x7f: {  	_ =	shalt  }
0x80: {  	_ =	shalt  }
0x81: {  	_ =	shalt  }
0x82: {  	_ =	shalt  }
0x83: {  	_ =	shalt  }
0x84: {  	_ =	shalt  }
0x85: {  	_ =	shalt  }
0x86: {  	_ =	shalt  }
0x87: {  	_ =	shalt  }
.Lfunc_end0:
.L_simem_size_0:
called_computation_lowered:
.L_overlay_start_0:
0x88: {  	s2 =	sld [smem:$0x3FD9]  }
0x89: {  	s3 =	sld [smem:$0x3FFE];
	_ =	sdelay $0x1  }
0x8a: {  	s1 =	srdreg.scid  }
0x8b: {  	s0 =	sand.u32 $0x1, s1  }
0x8c: {  	s17 =	sshll.u32 s0, $0xA;
	s2 =	sadd.s32 s3, s2  }
0x8d: {  	s2 =	sadd.s32 s2, s17  }
0x8e: {  	[smem:$0x3FB8] =	sst s2  }
0x8f: {  	_ = 	snop  }
0x90: {  	s2 =	sld [smem:$0x3FD0];
	(tm) =	ssettm $0x1  }
0x91: {  	s18 =	sld [smem:$0x3FFB];
	_ =	sdelay $0x3  }
0x92: {  	_ =	strace s18  }
0x93: {  	s3 =	sld [smem:$0x3FFC];
	_ =	sdelay $0x3  }
0x94: {  	_ =	strace s3  }
0x95: {  	s3 =	sld [smem:$0x3FFD];
	_ =	sdelay $0x3  }
0x96: {  	_ =	strace s3  }
0x97: {  	_ =	strace $0x8FFFFFFF  }
0x98: {  	s19 =	sld [smem:$0x3FDB];
	_ =	sdelay $0x1  }
0x99: {  	s4 =	simm.s32 $_scs_section_size  }
0x9a: {  	s5 =	simm.s32 $_size__tile_overlayer_lowered;
	s6 =	simm.s32 $_tile_overlayer_lowered  }
0x9b: {  	s22 =	simm.s32 $0x1BFF;
	s21 =	sshll.u32 s6, $0x1;
	s3 =	sadd.s32 s4, s19  }
0x9c: {  	s7 =	simm.s32 $0x0;
	s20 =	sshll.u32 s5, $0x1;
	s5 =	sadd.s32 s21, s3  }
0x9d: {  	[timem:s7], [sflag:s22] =	dma.local [hbm:s5], s20  }
0x9e: {  	_ =	swait.ge [sflag:s22], s20  }
0x9f: {  	s4 =	ssub.s32 $0x0, s20;
	[sflag:s22] =	ssyncset.done $0x0  }
0xa0: {  	[sflag:s22] =	ssyncadd.s32 s4;
	_ =	sdelay $0x1  }
0xa1: {  	s23 =	simm.s32 $0x1B8B  }
0xa2: {  	_ =	swait.ge [sflag:s23], $0x1  }
0xa3: {  	[sflag:s23] =	ssyncset.done $0x0  }
0xa4: {  	s25 =	simm.s32 $0x1B8E;
	s24 =	sld [smem:$0x3FFE];
	[sflag:s23] =	ssyncadd.s32 $0xFFFFFFFF  }
0xa5: {  	s26 =	simm.s32 $execute0_lowered;
	[smem:$0x3FD2] =	sst s25  }
0xa6: {  	s5 =	sshll.u32 s26, $0x1;
	_ =	strace $0x80000046;
	[dreg:$0x1] =	wrdreg $0xFFFFFFFF  }
0xa7: {  	s28 =	simm.s32 $_size_execute0_lowered;
	s3 =	sadd.s32 s3, s5;
	[dreg:$0x0] =	wrdreg $0x0  }
0xa8: {  	s5 =	sshll.u32 s28, $0x1;
	[dreg:$0x2] =	wrdreg s3  }
0xa9: {  	[dreg:$0x3] =	wrdreg s5  }
0xaa: {  	[dreg:$0x4] =	wrdreg $0xC0  }
0xab: {  	_ =	task [dreg:s7], $0x5FFFF  }
0xac: {  	[dreg:$0x1] =	wrdreg $0xFFFFFFFF  }
0xad: {  	[dreg:$0x0] =	wrdreg $0x60  }
0xae: {  	[dreg:$0x2] =	wrdreg s2  }
0xaf: {  	[dreg:$0x3] =	wrdreg s24  }
0xb0: {  	[dreg:$0x4] =	wrdreg $0x9  }
0xb1: {  	_ =	task.clear_ibuf [dreg:s7], $0x5FFFF;
	_ =	strace $0x90000046  }
0xb2: {  	s29 =	simm.s32 $0x9;
	_ =	strace $0x80000048  }
0xb3: {  	_ =	swait.ge [sflag:s29], $0x1  }
0xb4: {  	[sflag:s29] =	ssyncadd.s32 $0xFFFFFFFF  }
0xb5: {  	_ =	strace $0x90000048  }
0xb6: {  	_ =	sfence  }
0xb7: {  	s30 =	sld [smem:$0x0];
	_ =	sdelay $0x2  }
0xb8: {  	s31 =	sshll.u32 s1, $0xD;
	s1 =	sshrl.u32 s1, $0x2  }
0xb9: {  	s3 =	sand.u32 $0x4000, s31;
	s1 =	sadd.s32 s1, s30  }
0xba: {  	s0 =	sor.u32 s3, s0;
	s1 =	sshll.u32 s1, $0x11  }
0xbb: {  	s0 =	sor.u32 s1, s0  }
0xbc: {  	s0 =	sadd.s32 $0x8F2B, s0  }
0xbd: {  	[sflag:s0] =	ssyncadd.remote.s32 $0x1  }
0xbe: {  	_ =	sfence.sel $0xFFFF  }
0xbf: {  	[dreg:$0x0] =	wrdreg $0xFFFFFFFF;
	(pc) =	sbr.abs _section_cstart, $3  }
0xc0: {  	[dreg:$0x1] =	wrdreg $0xFFFFFFFF  }
0xc1: {  	_ =	task.clear_ibuf [dreg:s7], $0x2FFFF;
	_ =	strace $0x9FFFFFFF  }
0xc2: {  	(tm) =	ssettm $0x7FFFFFFF  }
0xc3: {  	_ =	shalt  }
tec
execute0_lowered:
.L_overlay_start_1:
0x0: {  	(tag) =	ssettag $0x1  }
0x1: {  	s1 =	rddreg [dreg:$0x0]  }
0x2: {  	s6 =	rddreg [dreg:$0x1]  }
0x3: {  	s0 =	rddreg [dreg:$0x2]  }
0x4: {  	s3 =	simm.s32 $0x0;
	s4 =	srdreg.scid;
	s2 =	stileid.u32  }
0x5: {  	s11 =	simm.s32 $0x1;
	s12 =	simm.s32 $0x2710;
	s13 =	simm.s32 $0x4E20  }
0x6: {  	s14 =	simm.s32 $0x7530;
	s15 =	simm.s32 $0x7D30;
	s16 =	simm.s32 $0x800  }
0x7: {  	s17 =	simm.s32 $0x50000;
	s18 =	simm.s32 $0x8530;
	s19 =	simm.s32 $0x0  }
0x8: {  	[smem:$0x7FF] =	sst s3;
	s7 =	sand.u32 $0x1, s4;
	s4 =	sadd.s32 $0xB800, s6  }
0x9: {  	s9 =	sshll.u32 s2, $0x1;
	s5 =	sadd.s32 $0x1800, s6;
	s8 =	ssub.s32 $0x2, s7  }
0xa: {  	s6 =	sadd.s32 $0x15800, s6;
	_ =	strace $0x80000047;
	s10 =	sshrl.u32 s8, $0x1  }
0xb: {  	s7 =	sor.u32 s7, s9;
	s9 =	sadd.s32 $0x9C4, s1;
	s10 =	ssub.s32 s8, s10  }
0xc: {  	s7 =	smul.u32 $0x2800, s7;
	s8 =	sadd.s32 $0x4E2, s1;
	s10 =	smax.u32 s10, $0x1  }
.LBB2_1:
0xd: {  	[tilespmem:s3], [sflag:$0x1] =	stream.linear.gather [hbm4b:s1+s3], $0x2710, $0x38;
	[tilespmem:$0xC530] =	vst v63  }
0xe: {  	_ =	swait.ge [sflag:s11], $0x2710  }
0xf: {  	[sflag:s11] =	ssyncset.done $0x0  }
0x10: {  	[sflag:s11] =	ssyncadd.s32 $0xFFFFD8F0  }
0x11: {  	[tilespmem:s12], [sflag:$0x1] =	stream.linear.gather [hbm4b:s8+s3], $0x2710, $0x38;
	[tilespmem:$0xC530] =	vst v63  }
0x12: {  	_ =	swait.ge [sflag:s11], $0x2710  }
0x13: {  	[sflag:s11] =	ssyncset.done $0x0  }
0x14: {  	[sflag:s11] =	ssyncadd.s32 $0xFFFFD8F0  }
0x15: {  	[tilespmem:s13], [sflag:$0x1] =	stream.linear.gather [hbm4b:s9+s3], $0x2710, $0x38;
	[tilespmem:$0xC530] =	vst v63  }
0x16: {  	_ =	swait.ge [sflag:s11], $0x2710  }
0x17: {  	[sflag:s11] =	ssyncset.done $0x0  }
0x18: {  	s20 =	simm.s32 $0x0;
	[sflag:s11] =	ssyncadd.s32 $0xFFFFD8F0  }
.LBB2_2:
0x19: {  	s21 =	sshll.u32 s20, $0xB  }
0x1a: {  	s21 =	sadd.s32 s7, s21  }
0x1b: {  	s21 =	sshrl.u32 s21, $0x3  }
0x1c: {  	s23 =	simm.s32 $0x0;
	s22 =	sadd.s32 s4, s21  }
0x1d: {  	[tilespmem:s14], [sflag:$0x1] =	stream.linear.gather [hbm4b:s22+s23], $0x800, $0x38;
	[tilespmem:$0xC530] =	vst v63  }
0x1e: {  	_ =	swait.ge [sflag:s11], $0x800  }
0x1f: {  	[sflag:s11] =	ssyncset.done $0x0  }
0x20: {  	s31 =	sadd.s32 s5, s21;
	[sflag:s11] =	ssyncadd.s32 $0xFFFFF800  }
0x21: {  	[tilespmem:s15], [sflag:$0x1] =	stream.linear.gather [hbm4b:s31+s23], $0x800, $0x38;
	[tilespmem:$0xC530] =	vst v63  }
0x22: {  	_ =	swait.ge [sflag:s11], $0x800  }
0x23: {  	[sflag:s11] =	ssyncset.done $0x0  }
0x24: {  	s22 =	simm.s32 $0x0;
	[sflag:s11] =	ssyncadd.s32 $0xFFFFF800  }
0x25: {  	v0 =	vld [tilespmem:s22+$0x7530];
	_ =	sdelay $0x1  }
0x26: {  	v1 =	vld [tilespmem:s22+$0x7D30];
	_ =	sdelay $0x5  }
0x27: {  	v2 =	vld.idx.msk [tilespmem:v0+s12+$0x0], $0xffff  }
0x28: {  	v3 =	vld.idx.msk [tilespmem:v0+s13+$0x0], $0xffff  }
0x29: {  	v4 =	vld.idx.msk [tilespmem:v1+s12+$0x0], $0xffff  }
0x2a: {  	v5 =	vld.idx.msk [tilespmem:v1+s13+$0x0], $0xffff;
	_ =	sdelay $0x1  }
0x2b: {  	v6 =	vld.idx.msk [tilespmem:v1+s3+$0x0], $0xffff  }
0x2c: {  	v7 =	vld.idx.msk [tilespmem:v0+s3+$0x0], $0xffff;
	[tilespmem:s22+$0x9530] =	vst v3  }
0x2d: {  	[tilespmem:s22+$0xA530] =	vst v4;
	v4 =	vsub.f32 v2, v4  }
0x2e: {  	s23 =	simm.s32 $0x10;
	[tilespmem:s22+$0xAD30] =	vst v5;
	v3 =	vsub.f32 v3, v5  }
0x2f: {  	v0 =	vld [tilespmem:s23+$0x7530];
	v5 =	vadd.f32 $-6.000000000e+00, v4  }
0x30: {  	[tilespmem:s22+$0x8D30] =	vst v2;
	vm0 =	vgt.f32 v4, $3.000000000e+00;
	v8 =	vadd.f32 $-6.000000000e+00, v3  }
0x31: {  	v1 =	vld [tilespmem:s23+$0x7D30];
	vm1 =	vgt.f32 v3, $3.000000000e+00;
	[tilespmem:s22+$0x9D30] =	vst v6;
	v2 =	vsel vm0, v5, v4  }
0x32: {  	s24 =	simm.s32 $0x80;
	[tilespmem:s22+$0x8530] =	vst v7;
	v3 =	vsel vm1, v8, v3;
	vm0 =	vle.f32 v2, $-3.000000000e+00;
	v4 =	vadd.f32 $6.000000000e+00, v2  }
.LBB2_3:
0x33: {  	p0 =	sne.s32 s24, $0x1FC0;
	vm1 =	vle.f32 v3, $-3.000000000e+00;
	v5 =	vadd.f32 $6.000000000e+00, v3;
	s25 =	smov.u32 s24;
	s24 =	sadd.s32 $0x40, s24  }
0x34: {  	v2 =	vsel vm0, v4, v2  }
0x35: {  	v3 =	vsel vm1, v5, v3;
	[tilespmem:s22+$0xB530] =	vst v2  }
0x36: {  	[tilespmem:s22+$0xBD30] =	vst v3;
	s22 =	smov.u32 s23  }
0x37: {  	v2 =	vld.idx.msk [tilespmem:v0+s12+$0x0], $0xffff  }
0x38: {  	v3 =	vld.idx.msk [tilespmem:v0+s13+$0x0], $0xffff  }
0x39: {  	v4 =	vld.idx.msk [tilespmem:v1+s12+$0x0], $0xffff  }
0x3a: {  	v5 =	vld.idx.msk [tilespmem:v1+s13+$0x0], $0xffff;
	_ =	sdelay $0x1  }
0x3b: {  	v6 =	vld.idx.msk [tilespmem:v1+s3+$0x0], $0xffff  }
0x3c: {  	v7 =	vld.idx.msk [tilespmem:v0+s3+$0x0], $0xffff  }
0x3d: {  	[tilespmem:s22+$0x9530] =	vst v3  }
0x3e: {  	v8 =	vsub.f32 v2, v4;
	[tilespmem:s22+$0xA530] =	vst v4  }
.Ltmp0:
0x3f: {  	s23 =	sshra.s32 s25, $0x2;
	v3 =	vsub.f32 v3, v5;
	[tilespmem:s22+$0xAD30] =	vst v5;
	(pc) =	sbr.rel @p0 .LBB2_3-.Ltmp0, $4  }
0x40: {  	v4 =	vadd.f32 $-6.000000000e+00, v8;
	v0 =	vld [tilespmem:s23+$0x7530];
	[tilespmem:s22+$0x8D30] =	vst v2  }
0x41: {  	vm0 =	vgt.f32 v8, $3.000000000e+00;
	vm1 =	vgt.f32 v3, $3.000000000e+00;
	v5 =	vadd.f32 $-6.000000000e+00, v3;
	v1 =	vld [tilespmem:s23+$0x7D30];
	[tilespmem:s22+$0x9D30] =	vst v6  }
0x42: {  	v2 =	vsel vm0, v4, v8;
	[tilespmem:s22+$0x8530] =	vst v7  }
0x43: {  	vm0 =	vle.f32 v2, $-3.000000000e+00;
	v4 =	vadd.f32 $6.000000000e+00, v2;
	v3 =	vsel vm1, v5, v3  }
0x44: {  	_ = 	snop  }
0x45: {  	v5 =	vadd.f32 $6.000000000e+00, v3  }
0x46: {  	vm1 =	vle.f32 v3, $-3.000000000e+00;
	v2 =	vsel vm0, v4, v2  }
0x47: {  	v3 =	vsel vm1, v5, v3;
	[tilespmem:s22+$0xB530] =	vst v2  }
0x48: {  	[tilespmem:s22+$0xBD30] =	vst v3  }
0x49: {  	v2 =	vld.idx.msk [tilespmem:v0+s12+$0x0], $0xffff  }
0x4a: {  	v3 =	vld.idx.msk [tilespmem:v0+s13+$0x0], $0xffff  }
0x4b: {  	v55 =	vld.idx.msk [tilespmem:v1+s12+$0x0], $0xffff  }
0x4c: {  	v56 =	vld.idx.msk [tilespmem:v1+s13+$0x0], $0xffff;
	_ =	sdelay $0x3  }
0x4d: {  	v6 =	vsub.f32 v2, v55  }
0x4e: {  	v57 =	vld.idx.msk [tilespmem:v1+s3+$0x0], $0xffff;
	v7 =	vsub.f32 v3, v56  }
0x4f: {  	v58 =	vld.idx.msk [tilespmem:v0+s3+$0x0], $0xffff;
	[tilespmem:s23+$0x9530] =	vst v3;
	v59 =	vadd.f32 $-6.000000000e+00, v6  }
0x50: {  	[tilespmem:s23+$0xA530] =	vst v55;
	vm12 =	vgt.f32 v6, $3.000000000e+00;
	v60 =	vadd.f32 $-6.000000000e+00, v7  }
0x51: {  	[tilespmem:s23+$0xAD30] =	vst v56;
	vm13 =	vgt.f32 v7, $3.000000000e+00;
	v3 =	vsel vm12, v59, v6  }
0x52: {  	[tilespmem:s23+$0x8D30] =	vst v2;
	v4 =	vsel vm13, v60, v7;
	v61 =	vadd.f32 $6.000000000e+00, v3  }
0x53: {  	[tilespmem:s23+$0x9D30] =	vst v57;
	vm14 =	vle.f32 v3, $-3.000000000e+00;
	v62 =	vadd.f32 $6.000000000e+00, v4  }
0x54: {  	s20 =	sadd.s32 $0x1, s20;
	[tilespmem:s23+$0x8530] =	vst v58;
	vm15 =	vle.f32 v4, $-3.000000000e+00;
	v63 =	vsel vm14, v61, v3  }
0x55: {  	p0 =	sne.s32 s20, $0x5;
	v1 =	vsel vm15, v62, v4;
	[tilespmem:s23+$0xB530] =	vst v63  }
.Ltmp1:
0x56: {  	s21 =	sadd.s32 s6, s21;
	[tilespmem:s23+$0xBD30] =	vst v1;
	(pc) =	sbr.rel @p0 .LBB2_2-.Ltmp1, $4  }
0x57: {  	[hbm4b:s21+s16] =	stream.strided.scatter [tilespmem:s18], [sflag:$0x1], $0x4000, s17, s16, $0x38;
	[tilespmem:$0xC530] =	vst v63  }
0x58: {  	_ =	swait.ge [sflag:s11], $0x4000  }
0x59: {  	[sflag:s11] =	ssyncset.done $0x0  }
0x5a: {  	[sflag:s11] =	ssyncadd.s32 $0xFFFFC000  }
0x5b: {  	s19 =	sadd.s32 $0x1, s19  }
0x5c: {  	p0 =	sne.s32 s19, s10  }
.Ltmp2:
0x5d: {  	_ = 	snop;
	(pc) =	sbr.rel @p0 .LBB2_1-.Ltmp2, $1  }
0x5e: {  	_ =	sdelay $0x3  }
0x5f: {  	_ =	sfence.sel $0x180000  }
0x60: {  	[bflag:$0x0] =	sbarrier.arrive $0xFFFF  }
0x61: {  	p0 =	sne.s32 s2, $0x0;
	_ =	strace $0x90000047  }
0x62: {  	s0 =	sadd.s32 @!p0 $0x100000, s0;
	[bflag:$0x2] =	sbarrier.arrive $0xFFFF  }
0x63: {  	[sflag:s0] =	ssyncadd.tile.s32 @!p0 $0x1;
	_ =	shalt  }
.Lfunc_end2:
_tile_overlayer_lowered:
.L_overlay_start_2:
0x64: {  	(tag) =	ssettag $0x2  }
0x65: {  	s0 =	rddreg [dreg:$0x0];
	s2 =	stileid.u32  }
0x66: {  	s1 =	rddreg [dreg:$0x1];
	p0 =	sne.s32 s2, $0x0  }
0x67: {  	s3 =	rddreg [dreg:$0x2];
	[bflag:$0x3] =	sbarrier.arrive $0xFFFF;
	s2 =	simm.s32 @!p0 $0x1C01  }
0x68: {  	[timem:s3], [sflag:s2] =	dma.local @!p0 [hbm:s0], s1  }
0x69: {  	s0 =	simm.s32 @!p0 $0x1  }
0x6a: {  	_ =	swait.ge @!p0 [sflag:s0], s1  }
0x6b: {  	s1 =	ssub.s32 @!p0 $0x0, s1;
	[sflag:s0] =	ssyncset.done @!p0 $0x0  }
0x6c: {  	[sflag:s0] =	ssyncadd.s32 @!p0 s1  }
0x6d: {  	[bflag:$0x3] =	sbarrier.arrive $0xFFFF  }
0x6e: {  	_ =	shalt  }

</sc_bundles>
